<compile_context>
chip_gen: v7x
topology: tpu7x:2x2x1
jax: 0.10.2.dev20260603
libtpu: 0.0.44.dev20260713+nightly
codegen_flags: <defaults>
</compile_context>

<pallas_src>
import functools

import jax
import jax.numpy as jnp
from jax import lax
from jax.experimental import pallas as pl
from jax.experimental.pallas import tpu as pltpu
from jax.experimental.pallas import tpu_sc as plsc

D = 32
NC, NS = 2, 16
NW = NC * NS
ROWS_PER_GATHER = 128
GATHERS_PER_CHUNK = 10
CHUNK_ROWS = ROWS_PER_GATHER * GATHERS_PER_CHUNK


@functools.partial(jax.jit, static_argnames=())
def _embed(table, idx3):
    n_idx = idx3.shape[1]
    n_pairs = n_idx // (2 * GATHERS_PER_CHUNK)
    rows_per_w = n_idx * ROWS_PER_GATHER
    B = NW * rows_per_w
    mesh = plsc.VectorSubcoreMesh(core_axis_name="c", subcore_axis_name="s")

    @functools.partial(
        pl.kernel,
        mesh=mesh,
        compiler_params=pltpu.CompilerParams(use_tc_tiling_on_sc=False),
        out_type=jax.ShapeDtypeStruct((B, D), jnp.float32),
        scratch_types=[
            pltpu.VMEM((n_idx, ROWS_PER_GATHER), jnp.int32),
            pltpu.VMEM((CHUNK_ROWS, D), jnp.float32),
            pltpu.VMEM((CHUNK_ROWS, D), jnp.float32),
            pltpu.SemaphoreType.DMA,
            pltpu.SemaphoreType.DMA,
        ],
    )
    def k(table_hbm, idx_hbm, out_hbm, idx_v, rows_a, rows_b, sem_a, sem_b):
        wid = lax.axis_index("s") * NC + lax.axis_index("c")
        pltpu.sync_copy(idx_hbm.at[wid], idx_v)
        base = wid * rows_per_w

        def fire(c, buf, sem):
            copies = []
            for g in range(GATHERS_PER_CHUNK):
                cp = pltpu.async_copy(
                    table_hbm.at[idx_v.at[c * GATHERS_PER_CHUNK + g]],
                    buf.at[pl.ds(g * ROWS_PER_GATHER, ROWS_PER_GATHER)],
                    sem,
                )
                copies.append(cp)
            return copies

        def drain_and_store(copies, buf, c):
            for cp in copies:
                cp.wait()
            pltpu.sync_copy(
                buf, out_hbm.at[pl.ds(base + c * CHUNK_ROWS, CHUNK_ROWS)]
            )

        def pair_body(t, carry):
            ca = fire(2 * t, rows_a, sem_a)
            cb = fire(2 * t + 1, rows_b, sem_b)
            drain_and_store(ca, rows_a, 2 * t)
            drain_and_store(cb, rows_b, 2 * t + 1)
            return carry

        lax.fori_loop(0, n_pairs, pair_body, None)

    return k(table, idx3)


def kernel(x, table):
    bsz, hist = x.shape
    flat = bsz * hist
    assert flat % (NW * ROWS_PER_GATHER) == 0
    idx3 = x.astype(jnp.int32).reshape(NW, flat // (NW * ROWS_PER_GATHER),
                                       ROWS_PER_GATHER)
    out = _embed(table, idx3)
    return out.reshape(bsz, hist, D)

# --- scband reference (transcript-rebuilt; emitter-appended) ---
"""Pipeline reference for scband-embedding-11931419148834 (READ-ONLY COPY).

The authoritative reference and input builder live on the scoring server;
editing this copy changes nothing except your own understanding.
"""

import jax, jax.numpy as jnp
import numpy as np

VOCAB = 1000000
EMBED_DIM = 32
BATCH = 16384
HIST = 50

def setup_inputs(seed: int = 0) -> dict:
    key = jax.random.key(seed)
    k_idx, k_tab = jax.random.split(key)
    x = jax.random.randint(k_idx, (BATCH, HIST), 0, VOCAB, dtype=jnp.int64)
    table = jax.random.normal(k_tab, (VOCAB, EMBED_DIM), dtype=jnp.float32) * 0.02
    return {"x": x, "table": table}

def reference(x, table):
    # nn.Embedding forward: gather rows of the embedding table
    return jnp.take(table, x, axis=0)

if __name__ == "__main__":
    import jax
    _d = setup_inputs()
    print(jax.jit(kernel)(*tuple(_d.values())))

</pallas_src>

<mosaic_0001>
#map = affine_map<(d0, d1) -> (0, 0)>
#map1 = affine_map<(d0, d1) -> (0, 0, 0)>
module attributes {stable_mosaic.version = 14 : i64} {
  func.func @k(%arg0: i32, %arg1: i32, %arg2: memref<1000000x32xf32, #tpu.memory_space<hbm>>, %arg3: memref<32x200x128xi32, #tpu.memory_space<hbm>>, %arg4: memref<819200x32xf32, #tpu.memory_space<hbm>>, %arg5: memref<200x128xi32, #tpu.memory_space<vmem>>, %arg6: memref<1280x32xf32, #tpu.memory_space<vmem>>, %arg7: memref<1280x32xf32, #tpu.memory_space<vmem>>, %arg8: memref<!tpu.dma_semaphore, #tpu.memory_space<semaphore_mem>>, %arg9: memref<!tpu.dma_semaphore, #tpu.memory_space<semaphore_mem>>) attributes {dimension_semantics = [#tpu.dimension_semantics<core_parallel>, #tpu.dimension_semantics<subcore_parallel>], iteration_bounds = array<i64: 2, 16>, scalar_prefetch = 0 : i64, scratch_operands = 5 : i64, tpu.core_type = #tpu.core_type<sc_vector_subcore>, window_params = [{transform_indices = #map}, {transform_indices = #map1}, {transform_indices = #map}]} {
    %mul3A = arith.constant 2 : i32
    %mul3A_0 = arith.muli %arg1, %mul3A : i32
    %add3A = arith.addi %mul3A_0, %arg0 : i32
    "tpu.region"() ({
      %run_scoped3A = tpu.sem_alloc : memref<!tpu.dma_semaphore, #tpu.memory_space<semaphore_mem>>
      %dma_start3A = arith.constant 0 : i32
      %dma_start3A_7 = arith.constant 0 : i32
      %dma_start3A_8 = tpu.memref_slice %arg3[%add3A, %dma_start3A, %dma_start3A_7] : memref<32x200x128xi32, #tpu.memory_space<hbm>> -> memref<1x200x128xi32, #tpu.memory_space<hbm>>
      %dma_start3A_9 = tpu.memref_squeeze %dma_start3A_8 : memref<1x200x128xi32, #tpu.memory_space<hbm>> -> memref<200x128xi32, #tpu.memory_space<hbm>>
      %dma_start3A_10 = arith.constant 0 : i32
      %dma_start3A_11 = arith.constant 0 : i32
      %dma_start3A_12 = tpu.memref_slice %arg3[%add3A, %dma_start3A_10, %dma_start3A_11] : memref<32x200x128xi32, #tpu.memory_space<hbm>> -> memref<1x200x128xi32, #tpu.memory_space<hbm>>
      %dma_start3A_13 = tpu.memref_squeeze %dma_start3A_12 : memref<1x200x128xi32, #tpu.memory_space<hbm>> -> memref<200x128xi32, #tpu.memory_space<hbm>>
      tpu.enqueue_dma source(%dma_start3A_13 : memref<200x128xi32, #tpu.memory_space<hbm>>) target(%arg5 : memref<200x128xi32, #tpu.memory_space<vmem>>) target_semaphore(%run_scoped3A : memref<!tpu.dma_semaphore, #tpu.memory_space<semaphore_mem>>)
      %dma_wait3A = arith.constant 0 : i32
      %dma_wait3A_14 = arith.constant 0 : i32
      %dma_wait3A_15 = tpu.memref_slice %arg3[%add3A, %dma_wait3A, %dma_wait3A_14] : memref<32x200x128xi32, #tpu.memory_space<hbm>> -> memref<1x200x128xi32, #tpu.memory_space<hbm>>
      %dma_wait3A_16 = tpu.memref_squeeze %dma_wait3A_15 : memref<1x200x128xi32, #tpu.memory_space<hbm>> -> memref<200x128xi32, #tpu.memory_space<hbm>>
      %dma_wait3A_17 = arith.constant 0 : i32
      %dma_wait3A_18 = arith.constant 0 : i32
      %dma_wait3A_19 = tpu.memref_slice %arg3[%add3A, %dma_wait3A_17, %dma_wait3A_18] : memref<32x200x128xi32, #tpu.memory_space<hbm>> -> memref<1x200x128xi32, #tpu.memory_space<hbm>>
      %dma_wait3A_20 = tpu.memref_squeeze %dma_wait3A_19 : memref<1x200x128xi32, #tpu.memory_space<hbm>> -> memref<200x128xi32, #tpu.memory_space<hbm>>
      tpu.wait_dma2 semaphore(%run_scoped3A : memref<!tpu.dma_semaphore, #tpu.memory_space<semaphore_mem>>) src(%dma_wait3A_20 : memref<200x128xi32, #tpu.memory_space<hbm>>) dst(%arg5 : memref<200x128xi32, #tpu.memory_space<vmem>>)
      tpu.yield
    }) : () -> ()
    %mul3A_1 = arith.constant 25600 : i32
    %mul3A_2 = arith.muli %add3A, %mul3A_1 : i32
    %scan3A = arith.constant 0 : i32
    %scan3A_3 = arith.constant 10 : i32
    %scan3A_4 = arith.addi %scan3A, %scan3A_3 : i32
    %scan3A_5 = arith.constant 1 : i32
    scf.for %scan3A_7 = %scan3A to %scan3A_4 step %scan3A_5  : i32 {
      %mul3A_8 = arith.constant 2 : i32
      %mul3A_9 = arith.muli %mul3A_8, %scan3A_7 : i32
      %mul3A_10 = arith.constant 10 : i32
      %mul3A_11 = arith.muli %mul3A_9, %mul3A_10 : i32
      %add3A_12 = arith.constant 0 : i32
      %add3A_13 = arith.addi %mul3A_11, %add3A_12 : i32
      %dma_start3A = arith.constant 0 : i32
      %dma_start3A_14 = arith.constant 0 : i32
      %dma_start3A_15 = tpu.memref_slice %arg6[%dma_start3A, %dma_start3A_14] : memref<1280x32xf32, #tpu.memory_space<vmem>> -> memref<128x32xf32, #tpu.memory_space<vmem>>
      %dma_start3A_16 = arith.constant 0 : i32
      %dma_start3A_17 = tpu.memref_slice %arg5[%add3A_13, %dma_start3A_16] : memref<200x128xi32, #tpu.memory_space<vmem>> -> memref<1x128xi32, #tpu.memory_space<vmem>>
      %dma_start3A_18 = tpu.memref_squeeze %dma_start3A_17 : memref<1x128xi32, #tpu.memory_space<vmem>> -> memref<128xi32, #tpu.memory_space<vmem>>
      %dma_start3A_19 = arith.constant 0 : i32
      %dma_start3A_20 = arith.constant 0 : i32
      %dma_start3A_21 = tpu.memref_slice %arg2[%dma_start3A_19, %dma_start3A_20] : memref<1000000x32xf32, #tpu.memory_space<hbm>> -> memref<1000000x32xf32, #tpu.memory_space<hbm>>
      tpu.enqueue_indirect_dma source(%dma_start3A_21 : memref<1000000x32xf32, #tpu.memory_space<hbm>>) target(%dma_start3A_15 : memref<128x32xf32, #tpu.memory_space<vmem>>) offsets(%dma_start3A_18 : memref<128xi32, #tpu.memory_space<vmem>>) semaphore(%arg8 : memref<!tpu.dma_semaphore, #tpu.memory_space<semaphore_mem>>)
      %mul3A_22 = arith.constant 10 : i32
      %mul3A_23 = arith.muli %mul3A_9, %mul3A_22 : i32
      %add3A_24 = arith.constant 1 : i32
      %add3A_25 = arith.addi %mul3A_23, %add3A_24 : i32
      %dma_start3A_26 = arith.constant 128 : i32
      %dma_start3A_27 = arith.constant 0 : i32
      %dma_start3A_28 = tpu.memref_slice %arg6[%dma_start3A_26, %dma_start3A_27] : memref<1280x32xf32, #tpu.memory_space<vmem>> -> memref<128x32xf32, #tpu.memory_space<vmem>>
      %dma_start3A_29 = arith.constant 0 : i32
      %dma_start3A_30 = tpu.memref_slice %arg5[%add3A_25, %dma_start3A_29] : memref<200x128xi32, #tpu.memory_space<vmem>> -> memref<1x128xi32, #tpu.memory_space<vmem>>
      %dma_start3A_31 = tpu.memref_squeeze %dma_start3A_30 : memref<1x128xi32, #tpu.memory_space<vmem>> -> memref<128xi32, #tpu.memory_space<vmem>>
      %dma_start3A_32 = arith.constant 0 : i32
      %dma_start3A_33 = arith.constant 0 : i32
      %dma_start3A_34 = tpu.memref_slice %arg2[%dma_start3A_32, %dma_start3A_33] : memref<1000000x32xf32, #tpu.memory_space<hbm>> -> memref<1000000x32xf32, #tpu.memory_space<hbm>>
      tpu.enqueue_indirect_dma source(%dma_start3A_34 : memref<1000000x32xf32, #tpu.memory_space<hbm>>) target(%dma_start3A_28 : memref<128x32xf32, #tpu.memory_space<vmem>>) offsets(%dma_start3A_31 : memref<128xi32, #tpu.memory_space<vmem>>) semaphore(%arg8 : memref<!tpu.dma_semaphore, #tpu.memory_space<semaphore_mem>>)
      %mul3A_35 = arith.constant 10 : i32
      %mul3A_36 = arith.muli %mul3A_9, %mul3A_35 : i32
      %add3A_37 = arith.constant 2 : i32
      %add3A_38 = arith.addi %mul3A_36, %add3A_37 : i32
      %dma_start3A_39 = arith.constant 256 : i32
      %dma_start3A_40 = arith.constant 0 : i32
      %dma_start3A_41 = tpu.memref_slice %arg6[%dma_start3A_39, %dma_start3A_40] : memref<1280x32xf32, #tpu.memory_space<vmem>> -> memref<128x32xf32, #tpu.memory_space<vmem>>
      %dma_start3A_42 = arith.constant 0 : i32
      %dma_start3A_43 = tpu.memref_slice %arg5[%add3A_38, %dma_start3A_42] : memref<200x128xi32, #tpu.memory_space<vmem>> -> memref<1x128xi32, #tpu.memory_space<vmem>>
      %dma_start3A_44 = tpu.memref_squeeze %dma_start3A_43 : memref<1x128xi32, #tpu.memory_space<vmem>> -> memref<128xi32, #tpu.memory_space<vmem>>
      %dma_start3A_45 = arith.constant 0 : i32
      %dma_start3A_46 = arith.constant 0 : i32
      %dma_start3A_47 = tpu.memref_slice %arg2[%dma_start3A_45, %dma_start3A_46] : memref<1000000x32xf32, #tpu.memory_space<hbm>> -> memref<1000000x32xf32, #tpu.memory_space<hbm>>
      tpu.enqueue_indirect_dma source(%dma_start3A_47 : memref<1000000x32xf32, #tpu.memory_space<hbm>>) target(%dma_start3A_41 : memref<128x32xf32, #tpu.memory_space<vmem>>) offsets(%dma_start3A_44 : memref<128xi32, #tpu.memory_space<vmem>>) semaphore(%arg8 : memref<!tpu.dma_semaphore, #tpu.memory_space<semaphore_mem>>)
      %mul3A_48 = arith.constant 10 : i32
      %mul3A_49 = arith.muli %mul3A_9, %mul3A_48 : i32
      %add3A_50 = arith.constant 3 : i32
      %add3A_51 = arith.addi %mul3A_49, %add3A_50 : i32
      %dma_start3A_52 = arith.constant 384 : i32
      %dma_start3A_53 = arith.constant 0 : i32
      %dma_start3A_54 = tpu.memref_slice %arg6[%dma_start3A_52, %dma_start3A_53] : memref<1280x32xf32, #tpu.memory_space<vmem>> -> memref<128x32xf32, #tpu.memory_space<vmem>>
      %dma_start3A_55 = arith.constant 0 : i32
      %dma_start3A_56 = tpu.memref_slice %arg5[%add3A_51, %dma_start3A_55] : memref<200x128xi32, #tpu.memory_space<vmem>> -> memref<1x128xi32, #tpu.memory_space<vmem>>
      %dma_start3A_57 = tpu.memref_squeeze %dma_start3A_56 : memref<1x128xi32, #tpu.memory_space<vmem>> -> memref<128xi32, #tpu.memory_space<vmem>>
      %dma_start3A_58 = arith.constant 0 : i32
      %dma_start3A_59 = arith.constant 0 : i32
      %dma_start3A_60 = tpu.memref_slice %arg2[%dma_start3A_58, %dma_start3A_59] : memref<1000000x32xf32, #tpu.memory_space<hbm>> -> memref<1000000x32xf32, #tpu.memory_space<hbm>>
      tpu.enqueue_indirect_dma source(%dma_start3A_60 : memref<1000000x32xf32, #tpu.memory_space<hbm>>) target(%dma_start3A_54 : memref<128x32xf32, #tpu.memory_space<vmem>>) offsets(%dma_start3A_57 : memref<128xi32, #tpu.memory_space<vmem>>) semaphore(%arg8 : memref<!tpu.dma_semaphore, #tpu.memory_space<semaphore_mem>>)
      %mul3A_61 = arith.constant 10 : i32
      %mul3A_62 = arith.muli %mul3A_9, %mul3A_61 : i32
      %add3A_63 = arith.constant 4 : i32
      %add3A_64 = arith.addi %mul3A_62, %add3A_63 : i32
      %dma_start3A_65 = arith.constant 512 : i32
      %dma_start3A_66 = arith.constant 0 : i32
      %dma_start3A_67 = tpu.memref_slice %arg6[%dma_start3A_65, %dma_start3A_66] : memref<1280x32xf32, #tpu.memory_space<vmem>> -> memref<128x32xf32, #tpu.memory_space<vmem>>
      %dma_start3A_68 = arith.constant 0 : i32
      %dma_start3A_69 = tpu.memref_slice %arg5[%add3A_64, %dma_start3A_68] : memref<200x128xi32, #tpu.memory_space<vmem>> -> memref<1x128xi32, #tpu.memory_space<vmem>>
      %dma_start3A_70 = tpu.memref_squeeze %dma_start3A_69 : memref<1x128xi32, #tpu.memory_space<vmem>> -> memref<128xi32, #tpu.memory_space<vmem>>
      %dma_start3A_71 = arith.constant 0 : i32
      %dma_start3A_72 = arith.constant 0 : i32
      %dma_start3A_73 = tpu.memref_slice %arg2[%dma_start3A_71, %dma_start3A_72] : memref<1000000x32xf32, #tpu.memory_space<hbm>> -> memref<1000000x32xf32, #tpu.memory_space<hbm>>
      tpu.enqueue_indirect_dma source(%dma_start3A_73 : memref<1000000x32xf32, #tpu.memory_space<hbm>>) target(%dma_start3A_67 : memref<128x32xf32, #tpu.memory_space<vmem>>) offsets(%dma_start3A_70 : memref<128xi32, #tpu.memory_space<vmem>>) semaphore(%arg8 : memref<!tpu.dma_semaphore, #tpu.memory_space<semaphore_mem>>)
      %mul3A_74 = arith.constant 10 : i32
      %mul3A_75 = arith.muli %mul3A_9, %mul3A_74 : i32
      %add3A_76 = arith.constant 5 : i32
      %add3A_77 = arith.addi %mul3A_75, %add3A_76 : i32
      %dma_start3A_78 = arith.constant 640 : i32
      %dma_start3A_79 = arith.constant 0 : i32
      %dma_start3A_80 = tpu.memref_slice %arg6[%dma_start3A_78, %dma_start3A_79] : memref<1280x32xf32, #tpu.memory_space<vmem>> -> memref<128x32xf32, #tpu.memory_space<vmem>>
      %dma_start3A_81 = arith.constant 0 : i32
      %dma_start3A_82 = tpu.memref_slice %arg5[%add3A_77, %dma_start3A_81] : memref<200x128xi32, #tpu.memory_space<vmem>> -> memref<1x128xi32, #tpu.memory_space<vmem>>
      %dma_start3A_83 = tpu.memref_squeeze %dma_start3A_82 : memref<1x128xi32, #tpu.memory_space<vmem>> -> memref<128xi32, #tpu.memory_space<vmem>>
      %dma_start3A_84 = arith.constant 0 : i32
      %dma_start3A_85 = arith.constant 0 : i32
      %dma_start3A_86 = tpu.memref_slice %arg2[%dma_start3A_84, %dma_start3A_85] : memref<1000000x32xf32, #tpu.memory_space<hbm>> -> memref<1000000x32xf32, #tpu.memory_space<hbm>>
      tpu.enqueue_indirect_dma source(%dma_start3A_86 : memref<1000000x32xf32, #tpu.memory_space<hbm>>) target(%dma_start3A_80 : memref<128x32xf32, #tpu.memory_space<vmem>>) offsets(%dma_start3A_83 : memref<128xi32, #tpu.memory_space<vmem>>) semaphore(%arg8 : memref<!tpu.dma_semaphore, #tpu.memory_space<semaphore_mem>>)
      %mul3A_87 = arith.constant 10 : i32
      %mul3A_88 = arith.muli %mul3A_9, %mul3A_87 : i32
      %add3A_89 = arith.constant 6 : i32
      %add3A_90 = arith.addi %mul3A_88, %add3A_89 : i32
      %dma_start3A_91 = arith.constant 768 : i32
      %dma_start3A_92 = arith.constant 0 : i32
      %dma_start3A_93 = tpu.memref_slice %arg6[%dma_start3A_91, %dma_start3A_92] : memref<1280x32xf32, #tpu.memory_space<vmem>> -> memref<128x32xf32, #tpu.memory_space<vmem>>
      %dma_start3A_94 = arith.constant 0 : i32
      %dma_start3A_95 = tpu.memref_slice %arg5[%add3A_90, %dma_start3A_94] : memref<200x128xi32, #tpu.memory_space<vmem>> -> memref<1x128xi32, #tpu.memory_space<vmem>>
      %dma_start3A_96 = tpu.memref_squeeze %dma_start3A_95 : memref<1x128xi32, #tpu.memory_space<vmem>> -> memref<128xi32, #tpu.memory_space<vmem>>
      %dma_start3A_97 = arith.constant 0 : i32
      %dma_start3A_98 = arith.constant 0 : i32
      %dma_start3A_99 = tpu.memref_slice %arg2[%dma_start3A_97, %dma_start3A_98] : memref<1000000x32xf32, #tpu.memory_space<hbm>> -> memref<1000000x32xf32, #tpu.memory_space<hbm>>
      tpu.enqueue_indirect_dma source(%dma_start3A_99 : memref<1000000x32xf32, #tpu.memory_space<hbm>>) target(%dma_start3A_93 : memref<128x32xf32, #tpu.memory_space<vmem>>) offsets(%dma_start3A_96 : memref<128xi32, #tpu.memory_space<vmem>>) semaphore(%arg8 : memref<!tpu.dma_semaphore, #tpu.memory_space<semaphore_mem>>)
      %mul3A_100 = arith.constant 10 : i32
      %mul3A_101 = arith.muli %mul3A_9, %mul3A_100 : i32
      %add3A_102 = arith.constant 7 : i32
      %add3A_103 = arith.addi %mul3A_101, %add3A_102 : i32
      %dma_start3A_104 = arith.constant 896 : i32
      %dma_start3A_105 = arith.constant 0 : i32
      %dma_start3A_106 = tpu.memref_slice %arg6[%dma_start3A_104, %dma_start3A_105] : memref<1280x32xf32, #tpu.memory_space<vmem>> -> memref<128x32xf32, #tpu.memory_space<vmem>>
      %dma_start3A_107 = arith.constant 0 : i32
      %dma_start3A_108 = tpu.memref_slice %arg5[%add3A_103, %dma_start3A_107] : memref<200x128xi32, #tpu.memory_space<vmem>> -> memref<1x128xi32, #tpu.memory_space<vmem>>
      %dma_start3A_109 = tpu.memref_squeeze %dma_start3A_108 : memref<1x128xi32, #tpu.memory_space<vmem>> -> memref<128xi32, #tpu.memory_space<vmem>>
      %dma_start3A_110 = arith.constant 0 : i32
      %dma_start3A_111 = arith.constant 0 : i32
      %dma_start3A_112 = tpu.memref_slice %arg2[%dma_start3A_110, %dma_start3A_111] : memref<1000000x32xf32, #tpu.memory_space<hbm>> -> memref<1000000x32xf32, #tpu.memory_space<hbm>>
      tpu.enqueue_indirect_dma source(%dma_start3A_112 : memref<1000000x32xf32, #tpu.memory_space<hbm>>) target(%dma_start3A_106 : memref<128x32xf32, #tpu.memory_space<vmem>>) offsets(%dma_start3A_109 : memref<128xi32, #tpu.memory_space<vmem>>) semaphore(%arg8 : memref<!tpu.dma_semaphore, #tpu.memory_space<semaphore_mem>>)
      %mul3A_113 = arith.constant 10 : i32
      %mul3A_114 = arith.muli %mul3A_9, %mul3A_113 : i32
      %add3A_115 = arith.constant 8 : i32
      %add3A_116 = arith.addi %mul3A_114, %add3A_115 : i32
      %dma_start3A_117 = arith.constant 1024 : i32
      %dma_start3A_118 = arith.constant 0 : i32
      %dma_start3A_119 = tpu.memref_slice %arg6[%dma_start3A_117, %dma_start3A_118] : memref<1280x32xf32, #tpu.memory_space<vmem>> -> memref<128x32xf32, #tpu.memory_space<vmem>>
      %dma_start3A_120 = arith.constant 0 : i32
      %dma_start3A_121 = tpu.memref_slice %arg5[%add3A_116, %dma_start3A_120] : memref<200x128xi32, #tpu.memory_space<vmem>> -> memref<1x128xi32, #tpu.memory_space<vmem>>
      %dma_start3A_122 = tpu.memref_squeeze %dma_start3A_121 : memref<1x128xi32, #tpu.memory_space<vmem>> -> memref<128xi32, #tpu.memory_space<vmem>>
      %dma_start3A_123 = arith.constant 0 : i32
      %dma_start3A_124 = arith.constant 0 : i32
      %dma_start3A_125 = tpu.memref_slice %arg2[%dma_start3A_123, %dma_start3A_124] : memref<1000000x32xf32, #tpu.memory_space<hbm>> -> memref<1000000x32xf32, #tpu.memory_space<hbm>>
      tpu.enqueue_indirect_dma source(%dma_start3A_125 : memref<1000000x32xf32, #tpu.memory_space<hbm>>) target(%dma_start3A_119 : memref<128x32xf32, #tpu.memory_space<vmem>>) offsets(%dma_start3A_122 : memref<128xi32, #tpu.memory_space<vmem>>) semaphore(%arg8 : memref<!tpu.dma_semaphore, #tpu.memory_space<semaphore_mem>>)
      %mul3A_126 = arith.constant 10 : i32
      %mul3A_127 = arith.muli %mul3A_9, %mul3A_126 : i32
      %add3A_128 = arith.constant 9 : i32
      %add3A_129 = arith.addi %mul3A_127, %add3A_128 : i32
      %dma_start3A_130 = arith.constant 1152 : i32
      %dma_start3A_131 = arith.constant 0 : i32
      %dma_start3A_132 = tpu.memref_slice %arg6[%dma_start3A_130, %dma_start3A_131] : memref<1280x32xf32, #tpu.memory_space<vmem>> -> memref<128x32xf32, #tpu.memory_space<vmem>>
      %dma_start3A_133 = arith.constant 0 : i32
      %dma_start3A_134 = tpu.memref_slice %arg5[%add3A_129, %dma_start3A_133] : memref<200x128xi32, #tpu.memory_space<vmem>> -> memref<1x128xi32, #tpu.memory_space<vmem>>
      %dma_start3A_135 = tpu.memref_squeeze %dma_start3A_134 : memref<1x128xi32, #tpu.memory_space<vmem>> -> memref<128xi32, #tpu.memory_space<vmem>>
      %dma_start3A_136 = arith.constant 0 : i32
      %dma_start3A_137 = arith.constant 0 : i32
      %dma_start3A_138 = tpu.memref_slice %arg2[%dma_start3A_136, %dma_start3A_137] : memref<1000000x32xf32, #tpu.memory_space<hbm>> -> memref<1000000x32xf32, #tpu.memory_space<hbm>>
      tpu.enqueue_indirect_dma source(%dma_start3A_138 : memref<1000000x32xf32, #tpu.memory_space<hbm>>) target(%dma_start3A_132 : memref<128x32xf32, #tpu.memory_space<vmem>>) offsets(%dma_start3A_135 : memref<128xi32, #tpu.memory_space<vmem>>) semaphore(%arg8 : memref<!tpu.dma_semaphore, #tpu.memory_space<semaphore_mem>>)
      %mul3A_139 = arith.constant 2 : i32
      %mul3A_140 = arith.muli %mul3A_139, %scan3A_7 : i32
      %add3A_141 = arith.constant 1 : i32
      %add3A_142 = arith.addi %mul3A_140, %add3A_141 : i32
      %mul3A_143 = arith.constant 10 : i32
      %mul3A_144 = arith.muli %add3A_142, %mul3A_143 : i32
      %add3A_145 = arith.constant 0 : i32
      %add3A_146 = arith.addi %mul3A_144, %add3A_145 : i32
      %dma_start3A_147 = arith.constant 0 : i32
      %dma_start3A_148 = arith.constant 0 : i32
      %dma_start3A_149 = tpu.memref_slice %arg7[%dma_start3A_147, %dma_start3A_148] : memref<1280x32xf32, #tpu.memory_space<vmem>> -> memref<128x32xf32, #tpu.memory_space<vmem>>
      %dma_start3A_150 = arith.constant 0 : i32
      %dma_start3A_151 = tpu.memref_slice %arg5[%add3A_146, %dma_start3A_150] : memref<200x128xi32, #tpu.memory_space<vmem>> -> memref<1x128xi32, #tpu.memory_space<vmem>>
      %dma_start3A_152 = tpu.memref_squeeze %dma_start3A_151 : memref<1x128xi32, #tpu.memory_space<vmem>> -> memref<128xi32, #tpu.memory_space<vmem>>
      %dma_start3A_153 = arith.constant 0 : i32
      %dma_start3A_154 = arith.constant 0 : i32
      %dma_start3A_155 = tpu.memref_slice %arg2[%dma_start3A_153, %dma_start3A_154] : memref<1000000x32xf32, #tpu.memory_space<hbm>> -> memref<1000000x32xf32, #tpu.memory_space<hbm>>
      tpu.enqueue_indirect_dma source(%dma_start3A_155 : memref<1000000x32xf32, #tpu.memory_space<hbm>>) target(%dma_start3A_149 : memref<128x32xf32, #tpu.memory_space<vmem>>) offsets(%dma_start3A_152 : memref<128xi32, #tpu.memory_space<vmem>>) semaphore(%arg9 : memref<!tpu.dma_semaphore, #tpu.memory_space<semaphore_mem>>)
      %mul3A_156 = arith.constant 10 : i32
      %mul3A_157 = arith.muli %add3A_142, %mul3A_156 : i32
      %add3A_158 = arith.constant 1 : i32
      %add3A_159 = arith.addi %mul3A_157, %add3A_158 : i32
      %dma_start3A_160 = arith.constant 128 : i32
      %dma_start3A_161 = arith.constant 0 : i32
      %dma_start3A_162 = tpu.memref_slice %arg7[%dma_start3A_160, %dma_start3A_161] : memref<1280x32xf32, #tpu.memory_space<vmem>> -> memref<128x32xf32, #tpu.memory_space<vmem>>
      %dma_start3A_163 = arith.constant 0 : i32
      %dma_start3A_164 = tpu.memref_slice %arg5[%add3A_159, %dma_start3A_163] : memref<200x128xi32, #tpu.memory_space<vmem>> -> memref<1x128xi32, #tpu.memory_space<vmem>>
      %dma_start3A_165 = tpu.memref_squeeze %dma_start3A_164 : memref<1x128xi32, #tpu.memory_space<vmem>> -> memref<128xi32, #tpu.memory_space<vmem>>
      %dma_start3A_166 = arith.constant 0 : i32
      %dma_start3A_167 = arith.constant 0 : i32
      %dma_start3A_168 = tpu.memref_slice %arg2[%dma_start3A_166, %dma_start3A_167] : memref<1000000x32xf32, #tpu.memory_space<hbm>> -> memref<1000000x32xf32, #tpu.memory_space<hbm>>
      tpu.enqueue_indirect_dma source(%dma_start3A_168 : memref<1000000x32xf32, #tpu.memory_space<hbm>>) target(%dma_start3A_162 : memref<128x32xf32, #tpu.memory_space<vmem>>) offsets(%dma_start3A_165 : memref<128xi32, #tpu.memory_space<vmem>>) semaphore(%arg9 : memref<!tpu.dma_semaphore, #tpu.memory_space<semaphore_mem>>)
      %mul3A_169 = arith.constant 10 : i32
      %mul3A_170 = arith.muli %add3A_142, %mul3A_169 : i32
      %add3A_171 = arith.constant 2 : i32
      %add3A_172 = arith.addi %mul3A_170, %add3A_171 : i32
      %dma_start3A_173 = arith.constant 256 : i32
      %dma_start3A_174 = arith.constant 0 : i32
      %dma_start3A_175 = tpu.memref_slice %arg7[%dma_start3A_173, %dma_start3A_174] : memref<1280x32xf32, #tpu.memory_space<vmem>> -> memref<128x32xf32, #tpu.memory_space<vmem>>
      %dma_start3A_176 = arith.constant 0 : i32
      %dma_start3A_177 = tpu.memref_slice %arg5[%add3A_172, %dma_start3A_176] : memref<200x128xi32, #tpu.memory_space<vmem>> -> memref<1x128xi32, #tpu.memory_space<vmem>>
      %dma_start3A_178 = tpu.memref_squeeze %dma_start3A_177 : memref<1x128xi32, #tpu.memory_space<vmem>> -> memref<128xi32, #tpu.memory_space<vmem>>
      %dma_start3A_179 = arith.constant 0 : i32
      %dma_start3A_180 = arith.constant 0 : i32
      %dma_start3A_181 = tpu.memref_slice %arg2[%dma_start3A_179, %dma_start3A_180] : memref<1000000x32xf32, #tpu.memory_space<hbm>> -> memref<1000000x32xf32, #tpu.memory_space<hbm>>
      tpu.enqueue_indirect_dma source(%dma_start3A_181 : memref<1000000x32xf32, #tpu.memory_space<hbm>>) target(%dma_start3A_175 : memref<128x32xf32, #tpu.memory_space<vmem>>) offsets(%dma_start3A_178 : memref<128xi32, #tpu.memory_space<vmem>>) semaphore(%arg9 : memref<!tpu.dma_semaphore, #tpu.memory_space<semaphore_mem>>)
      %mul3A_182 = arith.constant 10 : i32
      %mul3A_183 = arith.muli %add3A_142, %mul3A_182 : i32
      %add3A_184 = arith.constant 3 : i32
      %add3A_185 = arith.addi %mul3A_183, %add3A_184 : i32
      %dma_start3A_186 = arith.constant 384 : i32
      %dma_start3A_187 = arith.constant 0 : i32
      %dma_start3A_188 = tpu.memref_slice %arg7[%dma_start3A_186, %dma_start3A_187] : memref<1280x32xf32, #tpu.memory_space<vmem>> -> memref<128x32xf32, #tpu.memory_space<vmem>>
      %dma_start3A_189 = arith.constant 0 : i32
      %dma_start3A_190 = tpu.memref_slice %arg5[%add3A_185, %dma_start3A_189] : memref<200x128xi32, #tpu.memory_space<vmem>> -> memref<1x128xi32, #tpu.memory_space<vmem>>
      %dma_start3A_191 = tpu.memref_squeeze %dma_start3A_190 : memref<1x128xi32, #tpu.memory_space<vmem>> -> memref<128xi32, #tpu.memory_space<vmem>>
      %dma_start3A_192 = arith.constant 0 : i32
      %dma_start3A_193 = arith.constant 0 : i32
      %dma_start3A_194 = tpu.memref_slice %arg2[%dma_start3A_192, %dma_start3A_193] : memref<1000000x32xf32, #tpu.memory_space<hbm>> -> memref<1000000x32xf32, #tpu.memory_space<hbm>>
      tpu.enqueue_indirect_dma source(%dma_start3A_194 : memref<1000000x32xf32, #tpu.memory_space<hbm>>) target(%dma_start3A_188 : memref<128x32xf32, #tpu.memory_space<vmem>>) offsets(%dma_start3A_191 : memref<128xi32, #tpu.memory_space<vmem>>) semaphore(%arg9 : memref<!tpu.dma_semaphore, #tpu.memory_space<semaphore_mem>>)
      %mul3A_195 = arith.constant 10 : i32
      %mul3A_196 = arith.muli %add3A_142, %mul3A_195 : i32
      %add3A_197 = arith.constant 4 : i32
      %add3A_198 = arith.addi %mul3A_196, %add3A_197 : i32
      %dma_start3A_199 = arith.constant 512 : i32
      %dma_start3A_200 = arith.constant 0 : i32
      %dma_start3A_201 = tpu.memref_slice %arg7[%dma_start3A_199, %dma_start3A_200] : memref<1280x32xf32, #tpu.memory_space<vmem>> -> memref<128x32xf32, #tpu.memory_space<vmem>>
      %dma_start3A_202 = arith.constant 0 : i32
      %dma_start3A_203 = tpu.memref_slice %arg5[%add3A_198, %dma_start3A_202] : memref<200x128xi32, #tpu.memory_space<vmem>> -> memref<1x128xi32, #tpu.memory_space<vmem>>
      %dma_start3A_204 = tpu.memref_squeeze %dma_start3A_203 : memref<1x128xi32, #tpu.memory_space<vmem>> -> memref<128xi32, #tpu.memory_space<vmem>>
      %dma_start3A_205 = arith.constant 0 : i32
      %dma_start3A_206 = arith.constant 0 : i32
      %dma_start3A_207 = tpu.memref_slice %arg2[%dma_start3A_205, %dma_start3A_206] : memref<1000000x32xf32, #tpu.memory_space<hbm>> -> memref<1000000x32xf32, #tpu.memory_space<hbm>>
      tpu.enqueue_indirect_dma source(%dma_start3A_207 : memref<1000000x32xf32, #tpu.memory_space<hbm>>) target(%dma_start3A_201 : memref<128x32xf32, #tpu.memory_space<vmem>>) offsets(%dma_start3A_204 : memref<128xi32, #tpu.memory_space<vmem>>) semaphore(%arg9 : memref<!tpu.dma_semaphore, #tpu.memory_space<semaphore_mem>>)
      %mul3A_208 = arith.constant 10 : i32
      %mul3A_209 = arith.muli %add3A_142, %mul3A_208 : i32
      %add3A_210 = arith.constant 5 : i32
      %add3A_211 = arith.addi %mul3A_209, %add3A_210 : i32
      %dma_start3A_212 = arith.constant 640 : i32
      %dma_start3A_213 = arith.constant 0 : i32
      %dma_start3A_214 = tpu.memref_slice %arg7[%dma_start3A_212, %dma_start3A_213] : memref<1280x32xf32, #tpu.memory_space<vmem>> -> memref<128x32xf32, #tpu.memory_space<vmem>>
      %dma_start3A_215 = arith.constant 0 : i32
      %dma_start3A_216 = tpu.memref_slice %arg5[%add3A_211, %dma_start3A_215] : memref<200x128xi32, #tpu.memory_space<vmem>> -> memref<1x128xi32, #tpu.memory_space<vmem>>
      %dma_start3A_217 = tpu.memref_squeeze %dma_start3A_216 : memref<1x128xi32, #tpu.memory_space<vmem>> -> memref<128xi32, #tpu.memory_space<vmem>>
      %dma_start3A_218 = arith.constant 0 : i32
      %dma_start3A_219 = arith.constant 0 : i32
      %dma_start3A_220 = tpu.memref_slice %arg2[%dma_start3A_218, %dma_start3A_219] : memref<1000000x32xf32, #tpu.memory_space<hbm>> -> memref<1000000x32xf32, #tpu.memory_space<hbm>>
      tpu.enqueue_indirect_dma source(%dma_start3A_220 : memref<1000000x32xf32, #tpu.memory_space<hbm>>) target(%dma_start3A_214 : memref<128x32xf32, #tpu.memory_space<vmem>>) offsets(%dma_start3A_217 : memref<128xi32, #tpu.memory_space<vmem>>) semaphore(%arg9 : memref<!tpu.dma_semaphore, #tpu.memory_space<semaphore_mem>>)
      %mul3A_221 = arith.constant 10 : i32
      %mul3A_222 = arith.muli %add3A_142, %mul3A_221 : i32
      %add3A_223 = arith.constant 6 : i32
      %add3A_224 = arith.addi %mul3A_222, %add3A_223 : i32
      %dma_start3A_225 = arith.constant 768 : i32
      %dma_start3A_226 = arith.constant 0 : i32
      %dma_start3A_227 = tpu.memref_slice %arg7[%dma_start3A_225, %dma_start3A_226] : memref<1280x32xf32, #tpu.memory_space<vmem>> -> memref<128x32xf32, #tpu.memory_space<vmem>>
      %dma_start3A_228 = arith.constant 0 : i32
      %dma_start3A_229 = tpu.memref_slice %arg5[%add3A_224, %dma_start3A_228] : memref<200x128xi32, #tpu.memory_space<vmem>> -> memref<1x128xi32, #tpu.memory_space<vmem>>
      %dma_start3A_230 = tpu.memref_squeeze %dma_start3A_229 : memref<1x128xi32, #tpu.memory_space<vmem>> -> memref<128xi32, #tpu.memory_space<vmem>>
      %dma_start3A_231 = arith.constant 0 : i32
      %dma_start3A_232 = arith.constant 0 : i32
      %dma_start3A_233 = tpu.memref_slice %arg2[%dma_start3A_231, %dma_start3A_232] : memref<1000000x32xf32, #tpu.memory_space<hbm>> -> memref<1000000x32xf32, #tpu.memory_space<hbm>>
      tpu.enqueue_indirect_dma source(%dma_start3A_233 : memref<1000000x32xf32, #tpu.memory_space<hbm>>) target(%dma_start3A_227 : memref<128x32xf32, #tpu.memory_space<vmem>>) offsets(%dma_start3A_230 : memref<128xi32, #tpu.memory_space<vmem>>) semaphore(%arg9 : memref<!tpu.dma_semaphore, #tpu.memory_space<semaphore_mem>>)
      %mul3A_234 = arith.constant 10 : i32
      %mul3A_235 = arith.muli %add3A_142, %mul3A_234 : i32
      %add3A_236 = arith.constant 7 : i32
      %add3A_237 = arith.addi %mul3A_235, %add3A_236 : i32
      %dma_start3A_238 = arith.constant 896 : i32
      %dma_start3A_239 = arith.constant 0 : i32
      %dma_start3A_240 = tpu.memref_slice %arg7[%dma_start3A_238, %dma_start3A_239] : memref<1280x32xf32, #tpu.memory_space<vmem>> -> memref<128x32xf32, #tpu.memory_space<vmem>>
      %dma_start3A_241 = arith.constant 0 : i32
      %dma_start3A_242 = tpu.memref_slice %arg5[%add3A_237, %dma_start3A_241] : memref<200x128xi32, #tpu.memory_space<vmem>> -> memref<1x128xi32, #tpu.memory_space<vmem>>
      %dma_start3A_243 = tpu.memref_squeeze %dma_start3A_242 : memref<1x128xi32, #tpu.memory_space<vmem>> -> memref<128xi32, #tpu.memory_space<vmem>>
      %dma_start3A_244 = arith.constant 0 : i32
      %dma_start3A_245 = arith.constant 0 : i32
      %dma_start3A_246 = tpu.memref_slice %arg2[%dma_start3A_244, %dma_start3A_245] : memref<1000000x32xf32, #tpu.memory_space<hbm>> -> memref<1000000x32xf32, #tpu.memory_space<hbm>>
      tpu.enqueue_indirect_dma source(%dma_start3A_246 : memref<1000000x32xf32, #tpu.memory_space<hbm>>) target(%dma_start3A_240 : memref<128x32xf32, #tpu.memory_space<vmem>>) offsets(%dma_start3A_243 : memref<128xi32, #tpu.memory_space<vmem>>) semaphore(%arg9 : memref<!tpu.dma_semaphore, #tpu.memory_space<semaphore_mem>>)
      %mul3A_247 = arith.constant 10 : i32
      %mul3A_248 = arith.muli %add3A_142, %mul3A_247 : i32
      %add3A_249 = arith.constant 8 : i32
      %add3A_250 = arith.addi %mul3A_248, %add3A_249 : i32
      %dma_start3A_251 = arith.constant 1024 : i32
      %dma_start3A_252 = arith.constant 0 : i32
      %dma_start3A_253 = tpu.memref_slice %arg7[%dma_start3A_251, %dma_start3A_252] : memref<1280x32xf32, #tpu.memory_space<vmem>> -> memref<128x32xf32, #tpu.memory_space<vmem>>
      %dma_start3A_254 = arith.constant 0 : i32
      %dma_start3A_255 = tpu.memref_slice %arg5[%add3A_250, %dma_start3A_254] : memref<200x128xi32, #tpu.memory_space<vmem>> -> memref<1x128xi32, #tpu.memory_space<vmem>>
      %dma_start3A_256 = tpu.memref_squeeze %dma_start3A_255 : memref<1x128xi32, #tpu.memory_space<vmem>> -> memref<128xi32, #tpu.memory_space<vmem>>
      %dma_start3A_257 = arith.constant 0 : i32
      %dma_start3A_258 = arith.constant 0 : i32
      %dma_start3A_259 = tpu.memref_slice %arg2[%dma_start3A_257, %dma_start3A_258] : memref<1000000x32xf32, #tpu.memory_space<hbm>> -> memref<1000000x32xf32, #tpu.memory_space<hbm>>
      tpu.enqueue_indirect_dma source(%dma_start3A_259 : memref<1000000x32xf32, #tpu.memory_space<hbm>>) target(%dma_start3A_253 : memref<128x32xf32, #tpu.memory_space<vmem>>) offsets(%dma_start3A_256 : memref<128xi32, #tpu.memory_space<vmem>>) semaphore(%arg9 : memref<!tpu.dma_semaphore, #tpu.memory_space<semaphore_mem>>)
      %mul3A_260 = arith.constant 10 : i32
      %mul3A_261 = arith.muli %add3A_142, %mul3A_260 : i32
      %add3A_262 = arith.constant 9 : i32
      %add3A_263 = arith.addi %mul3A_261, %add3A_262 : i32
      %dma_start3A_264 = arith.constant 1152 : i32
      %dma_start3A_265 = arith.constant 0 : i32
      %dma_start3A_266 = tpu.memref_slice %arg7[%dma_start3A_264, %dma_start3A_265] : memref<1280x32xf32, #tpu.memory_space<vmem>> -> memref<128x32xf32, #tpu.memory_space<vmem>>
      %dma_start3A_267 = arith.constant 0 : i32
      %dma_start3A_268 = tpu.memref_slice %arg5[%add3A_263, %dma_start3A_267] : memref<200x128xi32, #tpu.memory_space<vmem>> -> memref<1x128xi32, #tpu.memory_space<vmem>>
      %dma_start3A_269 = tpu.memref_squeeze %dma_start3A_268 : memref<1x128xi32, #tpu.memory_space<vmem>> -> memref<128xi32, #tpu.memory_space<vmem>>
      %dma_start3A_270 = arith.constant 0 : i32
      %dma_start3A_271 = arith.constant 0 : i32
      %dma_start3A_272 = tpu.memref_slice %arg2[%dma_start3A_270, %dma_start3A_271] : memref<1000000x32xf32, #tpu.memory_space<hbm>> -> memref<1000000x32xf32, #tpu.memory_space<hbm>>
      tpu.enqueue_indirect_dma source(%dma_start3A_272 : memref<1000000x32xf32, #tpu.memory_space<hbm>>) target(%dma_start3A_266 : memref<128x32xf32, #tpu.memory_space<vmem>>) offsets(%dma_start3A_269 : memref<128xi32, #tpu.memory_space<vmem>>) semaphore(%arg9 : memref<!tpu.dma_semaphore, #tpu.memory_space<semaphore_mem>>)
      %mul3A_273 = arith.constant 2 : i32
      %mul3A_274 = arith.muli %mul3A_273, %scan3A_7 : i32
      %dma_wait3A = arith.constant 0 : i32
      %dma_wait3A_275 = arith.constant 0 : i32
      %dma_wait3A_276 = tpu.memref_slice %arg6[%dma_wait3A, %dma_wait3A_275] : memref<1280x32xf32, #tpu.memory_space<vmem>> -> memref<128x32xf32, #tpu.memory_space<vmem>>
      %dma_wait3A_277 = arith.constant 0 : i32
      %dma_wait3A_278 = tpu.memref_slice %arg5[%add3A_13, %dma_wait3A_277] : memref<200x128xi32, #tpu.memory_space<vmem>> -> memref<1x128xi32, #tpu.memory_space<vmem>>
      %dma_wait3A_279 = tpu.memref_squeeze %dma_wait3A_278 : memref<1x128xi32, #tpu.memory_space<vmem>> -> memref<128xi32, #tpu.memory_space<vmem>>
      %dma_wait3A_280 = arith.constant 0 : i32
      %dma_wait3A_281 = arith.constant 0 : i32
      %dma_wait3A_282 = tpu.memref_slice %arg2[%dma_wait3A_280, %dma_wait3A_281] : memref<1000000x32xf32, #tpu.memory_space<hbm>> -> memref<1000000x32xf32, #tpu.memory_space<hbm>>
      tpu.wait_indirect_dma semaphore(%arg8 : memref<!tpu.dma_semaphore, #tpu.memory_space<semaphore_mem>>) src(%dma_wait3A_282 : memref<1000000x32xf32, #tpu.memory_space<hbm>>) dst(%dma_wait3A_276 : memref<128x32xf32, #tpu.memory_space<vmem>>)
      %dma_wait3A_283 = arith.constant 128 : i32
      %dma_wait3A_284 = arith.constant 0 : i32
      %dma_wait3A_285 = tpu.memref_slice %arg6[%dma_wait3A_283, %dma_wait3A_284] : memref<1280x32xf32, #tpu.memory_space<vmem>> -> memref<128x32xf32, #tpu.memory_space<vmem>>
      %dma_wait3A_286 = arith.constant 0 : i32
      %dma_wait3A_287 = tpu.memref_slice %arg5[%add3A_25, %dma_wait3A_286] : memref<200x128xi32, #tpu.memory_space<vmem>> -> memref<1x128xi32, #tpu.memory_space<vmem>>
      %dma_wait3A_288 = tpu.memref_squeeze %dma_wait3A_287 : memref<1x128xi32, #tpu.memory_space<vmem>> -> memref<128xi32, #tpu.memory_space<vmem>>
      %dma_wait3A_289 = arith.constant 0 : i32
      %dma_wait3A_290 = arith.constant 0 : i32
      %dma_wait3A_291 = tpu.memref_slice %arg2[%dma_wait3A_289, %dma_wait3A_290] : memref<1000000x32xf32, #tpu.memory_space<hbm>> -> memref<1000000x32xf32, #tpu.memory_space<hbm>>
      tpu.wait_indirect_dma semaphore(%arg8 : memref<!tpu.dma_semaphore, #tpu.memory_space<semaphore_mem>>) src(%dma_wait3A_291 : memref<1000000x32xf32, #tpu.memory_space<hbm>>) dst(%dma_wait3A_285 : memref<128x32xf32, #tpu.memory_space<vmem>>)
      %dma_wait3A_292 = arith.constant 256 : i32
      %dma_wait3A_293 = arith.constant 0 : i32
      %dma_wait3A_294 = tpu.memref_slice %arg6[%dma_wait3A_292, %dma_wait3A_293] : memref<1280x32xf32, #tpu.memory_space<vmem>> -> memref<128x32xf32, #tpu.memory_space<vmem>>
      %dma_wait3A_295 = arith.constant 0 : i32
      %dma_wait3A_296 = tpu.memref_slice %arg5[%add3A_38, %dma_wait3A_295] : memref<200x128xi32, #tpu.memory_space<vmem>> -> memref<1x128xi32, #tpu.memory_space<vmem>>
      %dma_wait3A_297 = tpu.memref_squeeze %dma_wait3A_296 : memref<1x128xi32, #tpu.memory_space<vmem>> -> memref<128xi32, #tpu.memory_space<vmem>>
      %dma_wait3A_298 = arith.constant 0 : i32
      %dma_wait3A_299 = arith.constant 0 : i32
      %dma_wait3A_300 = tpu.memref_slice %arg2[%dma_wait3A_298, %dma_wait3A_299] : memref<1000000x32xf32, #tpu.memory_space<hbm>> -> memref<1000000x32xf32, #tpu.memory_space<hbm>>
      tpu.wait_indirect_dma semaphore(%arg8 : memref<!tpu.dma_semaphore, #tpu.memory_space<semaphore_mem>>) src(%dma_wait3A_300 : memref<1000000x32xf32, #tpu.memory_space<hbm>>) dst(%dma_wait3A_294 : memref<128x32xf32, #tpu.memory_space<vmem>>)
      %dma_wait3A_301 = arith.constant 384 : i32
      %dma_wait3A_302 = arith.constant 0 : i32
      %dma_wait3A_303 = tpu.memref_slice %arg6[%dma_wait3A_301, %dma_wait3A_302] : memref<1280x32xf32, #tpu.memory_space<vmem>> -> memref<128x32xf32, #tpu.memory_space<vmem>>
      %dma_wait3A_304 = arith.constant 0 : i32
      %dma_wait3A_305 = tpu.memref_slice %arg5[%add3A_51, %dma_wait3A_304] : memref<200x128xi32, #tpu.memory_space<vmem>> -> memref<1x128xi32, #tpu.memory_space<vmem>>
      %dma_wait3A_306 = tpu.memref_squeeze %dma_wait3A_305 : memref<1x128xi32, #tpu.memory_space<vmem>> -> memref<128xi32, #tpu.memory_space<vmem>>
      %dma_wait3A_307 = arith.constant 0 : i32
      %dma_wait3A_308 = arith.constant 0 : i32
      %dma_wait3A_309 = tpu.memref_slice %arg2[%dma_wait3A_307, %dma_wait3A_308] : memref<1000000x32xf32, #tpu.memory_space<hbm>> -> memref<1000000x32xf32, #tpu.memory_space<hbm>>
      tpu.wait_indirect_dma semaphore(%arg8 : memref<!tpu.dma_semaphore, #tpu.memory_space<semaphore_mem>>) src(%dma_wait3A_309 : memref<1000000x32xf32, #tpu.memory_space<hbm>>) dst(%dma_wait3A_303 : memref<128x32xf32, #tpu.memory_space<vmem>>)
      %dma_wait3A_310 = arith.constant 512 : i32
      %dma_wait3A_311 = arith.constant 0 : i32
      %dma_wait3A_312 = tpu.memref_slice %arg6[%dma_wait3A_310, %dma_wait3A_311] : memref<1280x32xf32, #tpu.memory_space<vmem>> -> memref<128x32xf32, #tpu.memory_space<vmem>>
      %dma_wait3A_313 = arith.constant 0 : i32
      %dma_wait3A_314 = tpu.memref_slice %arg5[%add3A_64, %dma_wait3A_313] : memref<200x128xi32, #tpu.memory_space<vmem>> -> memref<1x128xi32, #tpu.memory_space<vmem>>
      %dma_wait3A_315 = tpu.memref_squeeze %dma_wait3A_314 : memref<1x128xi32, #tpu.memory_space<vmem>> -> memref<128xi32, #tpu.memory_space<vmem>>
      %dma_wait3A_316 = arith.constant 0 : i32
      %dma_wait3A_317 = arith.constant 0 : i32
      %dma_wait3A_318 = tpu.memref_slice %arg2[%dma_wait3A_316, %dma_wait3A_317] : memref<1000000x32xf32, #tpu.memory_space<hbm>> -> memref<1000000x32xf32, #tpu.memory_space<hbm>>
      tpu.wait_indirect_dma semaphore(%arg8 : memref<!tpu.dma_semaphore, #tpu.memory_space<semaphore_mem>>) src(%dma_wait3A_318 : memref<1000000x32xf32, #tpu.memory_space<hbm>>) dst(%dma_wait3A_312 : memref<128x32xf32, #tpu.memory_space<vmem>>)
      %dma_wait3A_319 = arith.constant 640 : i32
      %dma_wait3A_320 = arith.constant 0 : i32
      %dma_wait3A_321 = tpu.memref_slice %arg6[%dma_wait3A_319, %dma_wait3A_320] : memref<1280x32xf32, #tpu.memory_space<vmem>> -> memref<128x32xf32, #tpu.memory_space<vmem>>
      %dma_wait3A_322 = arith.constant 0 : i32
      %dma_wait3A_323 = tpu.memref_slice %arg5[%add3A_77, %dma_wait3A_322] : memref<200x128xi32, #tpu.memory_space<vmem>> -> memref<1x128xi32, #tpu.memory_space<vmem>>
      %dma_wait3A_324 = tpu.memref_squeeze %dma_wait3A_323 : memref<1x128xi32, #tpu.memory_space<vmem>> -> memref<128xi32, #tpu.memory_space<vmem>>
      %dma_wait3A_325 = arith.constant 0 : i32
      %dma_wait3A_326 = arith.constant 0 : i32
      %dma_wait3A_327 = tpu.memref_slice %arg2[%dma_wait3A_325, %dma_wait3A_326] : memref<1000000x32xf32, #tpu.memory_space<hbm>> -> memref<1000000x32xf32, #tpu.memory_space<hbm>>
      tpu.wait_indirect_dma semaphore(%arg8 : memref<!tpu.dma_semaphore, #tpu.memory_space<semaphore_mem>>) src(%dma_wait3A_327 : memref<1000000x32xf32, #tpu.memory_space<hbm>>) dst(%dma_wait3A_321 : memref<128x32xf32, #tpu.memory_space<vmem>>)
      %dma_wait3A_328 = arith.constant 768 : i32
      %dma_wait3A_329 = arith.constant 0 : i32
      %dma_wait3A_330 = tpu.memref_slice %arg6[%dma_wait3A_328, %dma_wait3A_329] : memref<1280x32xf32, #tpu.memory_space<vmem>> -> memref<128x32xf32, #tpu.memory_space<vmem>>
      %dma_wait3A_331 = arith.constant 0 : i32
      %dma_wait3A_332 = tpu.memref_slice %arg5[%add3A_90, %dma_wait3A_331] : memref<200x128xi32, #tpu.memory_space<vmem>> -> memref<1x128xi32, #tpu.memory_space<vmem>>
      %dma_wait3A_333 = tpu.memref_squeeze %dma_wait3A_332 : memref<1x128xi32, #tpu.memory_space<vmem>> -> memref<128xi32, #tpu.memory_space<vmem>>
      %dma_wait3A_334 = arith.constant 0 : i32
      %dma_wait3A_335 = arith.constant 0 : i32
      %dma_wait3A_336 = tpu.memref_slice %arg2[%dma_wait3A_334, %dma_wait3A_335] : memref<1000000x32xf32, #tpu.memory_space<hbm>> -> memref<1000000x32xf32, #tpu.memory_space<hbm>>
      tpu.wait_indirect_dma semaphore(%arg8 : memref<!tpu.dma_semaphore, #tpu.memory_space<semaphore_mem>>) src(%dma_wait3A_336 : memref<1000000x32xf32, #tpu.memory_space<hbm>>) dst(%dma_wait3A_330 : memref<128x32xf32, #tpu.memory_space<vmem>>)
      %dma_wait3A_337 = arith.constant 896 : i32
      %dma_wait3A_338 = arith.constant 0 : i32
      %dma_wait3A_339 = tpu.memref_slice %arg6[%dma_wait3A_337, %dma_wait3A_338] : memref<1280x32xf32, #tpu.memory_space<vmem>> -> memref<128x32xf32, #tpu.memory_space<vmem>>
      %dma_wait3A_340 = arith.constant 0 : i32
      %dma_wait3A_341 = tpu.memref_slice %arg5[%add3A_103, %dma_wait3A_340] : memref<200x128xi32, #tpu.memory_space<vmem>> -> memref<1x128xi32, #tpu.memory_space<vmem>>
      %dma_wait3A_342 = tpu.memref_squeeze %dma_wait3A_341 : memref<1x128xi32, #tpu.memory_space<vmem>> -> memref<128xi32, #tpu.memory_space<vmem>>
      %dma_wait3A_343 = arith.constant 0 : i32
      %dma_wait3A_344 = arith.constant 0 : i32
      %dma_wait3A_345 = tpu.memref_slice %arg2[%dma_wait3A_343, %dma_wait3A_344] : memref<1000000x32xf32, #tpu.memory_space<hbm>> -> memref<1000000x32xf32, #tpu.memory_space<hbm>>
      tpu.wait_indirect_dma semaphore(%arg8 : memref<!tpu.dma_semaphore, #tpu.memory_space<semaphore_mem>>) src(%dma_wait3A_345 : memref<1000000x32xf32, #tpu.memory_space<hbm>>) dst(%dma_wait3A_339 : memref<128x32xf32, #tpu.memory_space<vmem>>)
      %dma_wait3A_346 = arith.constant 1024 : i32
      %dma_wait3A_347 = arith.constant 0 : i32
      %dma_wait3A_348 = tpu.memref_slice %arg6[%dma_wait3A_346, %dma_wait3A_347] : memref<1280x32xf32, #tpu.memory_space<vmem>> -> memref<128x32xf32, #tpu.memory_space<vmem>>
      %dma_wait3A_349 = arith.constant 0 : i32
      %dma_wait3A_350 = tpu.memref_slice %arg5[%add3A_116, %dma_wait3A_349] : memref<200x128xi32, #tpu.memory_space<vmem>> -> memref<1x128xi32, #tpu.memory_space<vmem>>
      %dma_wait3A_351 = tpu.memref_squeeze %dma_wait3A_350 : memref<1x128xi32, #tpu.memory_space<vmem>> -> memref<128xi32, #tpu.memory_space<vmem>>
      %dma_wait3A_352 = arith.constant 0 : i32
      %dma_wait3A_353 = arith.constant 0 : i32
      %dma_wait3A_354 = tpu.memref_slice %arg2[%dma_wait3A_352, %dma_wait3A_353] : memref<1000000x32xf32, #tpu.memory_space<hbm>> -> memref<1000000x32xf32, #tpu.memory_space<hbm>>
      tpu.wait_indirect_dma semaphore(%arg8 : memref<!tpu.dma_semaphore, #tpu.memory_space<semaphore_mem>>) src(%dma_wait3A_354 : memref<1000000x32xf32, #tpu.memory_space<hbm>>) dst(%dma_wait3A_348 : memref<128x32xf32, #tpu.memory_space<vmem>>)
      %dma_wait3A_355 = arith.constant 1152 : i32
      %dma_wait3A_356 = arith.constant 0 : i32
      %dma_wait3A_357 = tpu.memref_slice %arg6[%dma_wait3A_355, %dma_wait3A_356] : memref<1280x32xf32, #tpu.memory_space<vmem>> -> memref<128x32xf32, #tpu.memory_space<vmem>>
      %dma_wait3A_358 = arith.constant 0 : i32
      %dma_wait3A_359 = tpu.memref_slice %arg5[%add3A_129, %dma_wait3A_358] : memref<200x128xi32, #tpu.memory_space<vmem>> -> memref<1x128xi32, #tpu.memory_space<vmem>>
      %dma_wait3A_360 = tpu.memref_squeeze %dma_wait3A_359 : memref<1x128xi32, #tpu.memory_space<vmem>> -> memref<128xi32, #tpu.memory_space<vmem>>
      %dma_wait3A_361 = arith.constant 0 : i32
      %dma_wait3A_362 = arith.constant 0 : i32
      %dma_wait3A_363 = tpu.memref_slice %arg2[%dma_wait3A_361, %dma_wait3A_362] : memref<1000000x32xf32, #tpu.memory_space<hbm>> -> memref<1000000x32xf32, #tpu.memory_space<hbm>>
      tpu.wait_indirect_dma semaphore(%arg8 : memref<!tpu.dma_semaphore, #tpu.memory_space<semaphore_mem>>) src(%dma_wait3A_363 : memref<1000000x32xf32, #tpu.memory_space<hbm>>) dst(%dma_wait3A_357 : memref<128x32xf32, #tpu.memory_space<vmem>>)
      %mul3A_364 = arith.constant 1280 : i32
      %mul3A_365 = arith.muli %mul3A_274, %mul3A_364 : i32
      %add3A_366 = arith.addi %mul3A_2, %mul3A_365 : i32
      "tpu.region"() ({
        %run_scoped3A = tpu.sem_alloc : memref<!tpu.dma_semaphore, #tpu.memory_space<semaphore_mem>>
        %dma_start3A_464 = arith.constant 0 : i32
        %dma_start3A_465 = tpu.memref_slice %arg4[%add3A_366, %dma_start3A_464] : memref<819200x32xf32, #tpu.memory_space<hbm>> -> memref<1280x32xf32, #tpu.memory_space<hbm>>
        %dma_start3A_466 = arith.constant 0 : i32
        %dma_start3A_467 = tpu.memref_slice %arg4[%add3A_366, %dma_start3A_466] : memref<819200x32xf32, #tpu.memory_space<hbm>> -> memref<1280x32xf32, #tpu.memory_space<hbm>>
        tpu.enqueue_dma source(%arg6 : memref<1280x32xf32, #tpu.memory_space<vmem>>) target(%dma_start3A_467 : memref<1280x32xf32, #tpu.memory_space<hbm>>) target_semaphore(%run_scoped3A : memref<!tpu.dma_semaphore, #tpu.memory_space<semaphore_mem>>)
        %dma_wait3A_468 = arith.constant 0 : i32
        %dma_wait3A_469 = tpu.memref_slice %arg4[%add3A_366, %dma_wait3A_468] : memref<819200x32xf32, #tpu.memory_space<hbm>> -> memref<1280x32xf32, #tpu.memory_space<hbm>>
        %dma_wait3A_470 = arith.constant 0 : i32
        %dma_wait3A_471 = tpu.memref_slice %arg4[%add3A_366, %dma_wait3A_470] : memref<819200x32xf32, #tpu.memory_space<hbm>> -> memref<1280x32xf32, #tpu.memory_space<hbm>>
        tpu.wait_dma2 semaphore(%run_scoped3A : memref<!tpu.dma_semaphore, #tpu.memory_space<semaphore_mem>>) src(%arg6 : memref<1280x32xf32, #tpu.memory_space<vmem>>) dst(%dma_wait3A_471 : memref<1280x32xf32, #tpu.memory_space<hbm>>)
        tpu.yield
      }) : () -> ()
      %mul3A_367 = arith.constant 2 : i32
      %mul3A_368 = arith.muli %mul3A_367, %scan3A_7 : i32
      %add3A_369 = arith.constant 1 : i32
      %add3A_370 = arith.addi %mul3A_368, %add3A_369 : i32
      %dma_wait3A_371 = arith.constant 0 : i32
      %dma_wait3A_372 = arith.constant 0 : i32
      %dma_wait3A_373 = tpu.memref_slice %arg7[%dma_wait3A_371, %dma_wait3A_372] : memref<1280x32xf32, #tpu.memory_space<vmem>> -> memref<128x32xf32, #tpu.memory_space<vmem>>
      %dma_wait3A_374 = arith.constant 0 : i32
      %dma_wait3A_375 = tpu.memref_slice %arg5[%add3A_146, %dma_wait3A_374] : memref<200x128xi32, #tpu.memory_space<vmem>> -> memref<1x128xi32, #tpu.memory_space<vmem>>
      %dma_wait3A_376 = tpu.memref_squeeze %dma_wait3A_375 : memref<1x128xi32, #tpu.memory_space<vmem>> -> memref<128xi32, #tpu.memory_space<vmem>>
      %dma_wait3A_377 = arith.constant 0 : i32
      %dma_wait3A_378 = arith.constant 0 : i32
      %dma_wait3A_379 = tpu.memref_slice %arg2[%dma_wait3A_377, %dma_wait3A_378] : memref<1000000x32xf32, #tpu.memory_space<hbm>> -> memref<1000000x32xf32, #tpu.memory_space<hbm>>
      tpu.wait_indirect_dma semaphore(%arg9 : memref<!tpu.dma_semaphore, #tpu.memory_space<semaphore_mem>>) src(%dma_wait3A_379 : memref<1000000x32xf32, #tpu.memory_space<hbm>>) dst(%dma_wait3A_373 : memref<128x32xf32, #tpu.memory_space<vmem>>)
      %dma_wait3A_380 = arith.constant 128 : i32
      %dma_wait3A_381 = arith.constant 0 : i32
      %dma_wait3A_382 = tpu.memref_slice %arg7[%dma_wait3A_380, %dma_wait3A_381] : memref<1280x32xf32, #tpu.memory_space<vmem>> -> memref<128x32xf32, #tpu.memory_space<vmem>>
      %dma_wait3A_383 = arith.constant 0 : i32
      %dma_wait3A_384 = tpu.memref_slice %arg5[%add3A_159, %dma_wait3A_383] : memref<200x128xi32, #tpu.memory_space<vmem>> -> memref<1x128xi32, #tpu.memory_space<vmem>>
      %dma_wait3A_385 = tpu.memref_squeeze %dma_wait3A_384 : memref<1x128xi32, #tpu.memory_space<vmem>> -> memref<128xi32, #tpu.memory_space<vmem>>
      %dma_wait3A_386 = arith.constant 0 : i32
      %dma_wait3A_387 = arith.constant 0 : i32
      %dma_wait3A_388 = tpu.memref_slice %arg2[%dma_wait3A_386, %dma_wait3A_387] : memref<1000000x32xf32, #tpu.memory_space<hbm>> -> memref<1000000x32xf32, #tpu.memory_space<hbm>>
      tpu.wait_indirect_dma semaphore(%arg9 : memref<!tpu.dma_semaphore, #tpu.memory_space<semaphore_mem>>) src(%dma_wait3A_388 : memref<1000000x32xf32, #tpu.memory_space<hbm>>) dst(%dma_wait3A_382 : memref<128x32xf32, #tpu.memory_space<vmem>>)
      %dma_wait3A_389 = arith.constant 256 : i32
      %dma_wait3A_390 = arith.constant 0 : i32
      %dma_wait3A_391 = tpu.memref_slice %arg7[%dma_wait3A_389, %dma_wait3A_390] : memref<1280x32xf32, #tpu.memory_space<vmem>> -> memref<128x32xf32, #tpu.memory_space<vmem>>
      %dma_wait3A_392 = arith.constant 0 : i32
      %dma_wait3A_393 = tpu.memref_slice %arg5[%add3A_172, %dma_wait3A_392] : memref<200x128xi32, #tpu.memory_space<vmem>> -> memref<1x128xi32, #tpu.memory_space<vmem>>
      %dma_wait3A_394 = tpu.memref_squeeze %dma_wait3A_393 : memref<1x128xi32, #tpu.memory_space<vmem>> -> memref<128xi32, #tpu.memory_space<vmem>>
      %dma_wait3A_395 = arith.constant 0 : i32
      %dma_wait3A_396 = arith.constant 0 : i32
      %dma_wait3A_397 = tpu.memref_slice %arg2[%dma_wait3A_395, %dma_wait3A_396] : memref<1000000x32xf32, #tpu.memory_space<hbm>> -> memref<1000000x32xf32, #tpu.memory_space<hbm>>
      tpu.wait_indirect_dma semaphore(%arg9 : memref<!tpu.dma_semaphore, #tpu.memory_space<semaphore_mem>>) src(%dma_wait3A_397 : memref<1000000x32xf32, #tpu.memory_space<hbm>>) dst(%dma_wait3A_391 : memref<128x32xf32, #tpu.memory_space<vmem>>)
      %dma_wait3A_398 = arith.constant 384 : i32
      %dma_wait3A_399 = arith.constant 0 : i32
      %dma_wait3A_400 = tpu.memref_slice %arg7[%dma_wait3A_398, %dma_wait3A_399] : memref<1280x32xf32, #tpu.memory_space<vmem>> -> memref<128x32xf32, #tpu.memory_space<vmem>>
      %dma_wait3A_401 = arith.constant 0 : i32
      %dma_wait3A_402 = tpu.memref_slice %arg5[%add3A_185, %dma_wait3A_401] : memref<200x128xi32, #tpu.memory_space<vmem>> -> memref<1x128xi32, #tpu.memory_space<vmem>>
      %dma_wait3A_403 = tpu.memref_squeeze %dma_wait3A_402 : memref<1x128xi32, #tpu.memory_space<vmem>> -> memref<128xi32, #tpu.memory_space<vmem>>
      %dma_wait3A_404 = arith.constant 0 : i32
      %dma_wait3A_405 = arith.constant 0 : i32
      %dma_wait3A_406 = tpu.memref_slice %arg2[%dma_wait3A_404, %dma_wait3A_405] : memref<1000000x32xf32, #tpu.memory_space<hbm>> -> memref<1000000x32xf32, #tpu.memory_space<hbm>>
      tpu.wait_indirect_dma semaphore(%arg9 : memref<!tpu.dma_semaphore, #tpu.memory_space<semaphore_mem>>) src(%dma_wait3A_406 : memref<1000000x32xf32, #tpu.memory_space<hbm>>) dst(%dma_wait3A_400 : memref<128x32xf32, #tpu.memory_space<vmem>>)
      %dma_wait3A_407 = arith.constant 512 : i32
      %dma_wait3A_408 = arith.constant 0 : i32
      %dma_wait3A_409 = tpu.memref_slice %arg7[%dma_wait3A_407, %dma_wait3A_408] : memref<1280x32xf32, #tpu.memory_space<vmem>> -> memref<128x32xf32, #tpu.memory_space<vmem>>
      %dma_wait3A_410 = arith.constant 0 : i32
      %dma_wait3A_411 = tpu.memref_slice %arg5[%add3A_198, %dma_wait3A_410] : memref<200x128xi32, #tpu.memory_space<vmem>> -> memref<1x128xi32, #tpu.memory_space<vmem>>
      %dma_wait3A_412 = tpu.memref_squeeze %dma_wait3A_411 : memref<1x128xi32, #tpu.memory_space<vmem>> -> memref<128xi32, #tpu.memory_space<vmem>>
      %dma_wait3A_413 = arith.constant 0 : i32
      %dma_wait3A_414 = arith.constant 0 : i32
      %dma_wait3A_415 = tpu.memref_slice %arg2[%dma_wait3A_413, %dma_wait3A_414] : memref<1000000x32xf32, #tpu.memory_space<hbm>> -> memref<1000000x32xf32, #tpu.memory_space<hbm>>
      tpu.wait_indirect_dma semaphore(%arg9 : memref<!tpu.dma_semaphore, #tpu.memory_space<semaphore_mem>>) src(%dma_wait3A_415 : memref<1000000x32xf32, #tpu.memory_space<hbm>>) dst(%dma_wait3A_409 : memref<128x32xf32, #tpu.memory_space<vmem>>)
      %dma_wait3A_416 = arith.constant 640 : i32
      %dma_wait3A_417 = arith.constant 0 : i32
      %dma_wait3A_418 = tpu.memref_slice %arg7[%dma_wait3A_416, %dma_wait3A_417] : memref<1280x32xf32, #tpu.memory_space<vmem>> -> memref<128x32xf32, #tpu.memory_space<vmem>>
      %dma_wait3A_419 = arith.constant 0 : i32
      %dma_wait3A_420 = tpu.memref_slice %arg5[%add3A_211, %dma_wait3A_419] : memref<200x128xi32, #tpu.memory_space<vmem>> -> memref<1x128xi32, #tpu.memory_space<vmem>>
      %dma_wait3A_421 = tpu.memref_squeeze %dma_wait3A_420 : memref<1x128xi32, #tpu.memory_space<vmem>> -> memref<128xi32, #tpu.memory_space<vmem>>
      %dma_wait3A_422 = arith.constant 0 : i32
      %dma_wait3A_423 = arith.constant 0 : i32
      %dma_wait3A_424 = tpu.memref_slice %arg2[%dma_wait3A_422, %dma_wait3A_423] : memref<1000000x32xf32, #tpu.memory_space<hbm>> -> memref<1000000x32xf32, #tpu.memory_space<hbm>>
      tpu.wait_indirect_dma semaphore(%arg9 : memref<!tpu.dma_semaphore, #tpu.memory_space<semaphore_mem>>) src(%dma_wait3A_424 : memref<1000000x32xf32, #tpu.memory_space<hbm>>) dst(%dma_wait3A_418 : memref<128x32xf32, #tpu.memory_space<vmem>>)
      %dma_wait3A_425 = arith.constant 768 : i32
      %dma_wait3A_426 = arith.constant 0 : i32
      %dma_wait3A_427 = tpu.memref_slice %arg7[%dma_wait3A_425, %dma_wait3A_426] : memref<1280x32xf32, #tpu.memory_space<vmem>> -> memref<128x32xf32, #tpu.memory_space<vmem>>
      %dma_wait3A_428 = arith.constant 0 : i32
      %dma_wait3A_429 = tpu.memref_slice %arg5[%add3A_224, %dma_wait3A_428] : memref<200x128xi32, #tpu.memory_space<vmem>> -> memref<1x128xi32, #tpu.memory_space<vmem>>
      %dma_wait3A_430 = tpu.memref_squeeze %dma_wait3A_429 : memref<1x128xi32, #tpu.memory_space<vmem>> -> memref<128xi32, #tpu.memory_space<vmem>>
      %dma_wait3A_431 = arith.constant 0 : i32
      %dma_wait3A_432 = arith.constant 0 : i32
      %dma_wait3A_433 = tpu.memref_slice %arg2[%dma_wait3A_431, %dma_wait3A_432] : memref<1000000x32xf32, #tpu.memory_space<hbm>> -> memref<1000000x32xf32, #tpu.memory_space<hbm>>
      tpu.wait_indirect_dma semaphore(%arg9 : memref<!tpu.dma_semaphore, #tpu.memory_space<semaphore_mem>>) src(%dma_wait3A_433 : memref<1000000x32xf32, #tpu.memory_space<hbm>>) dst(%dma_wait3A_427 : memref<128x32xf32, #tpu.memory_space<vmem>>)
      %dma_wait3A_434 = arith.constant 896 : i32
      %dma_wait3A_435 = arith.constant 0 : i32
      %dma_wait3A_436 = tpu.memref_slice %arg7[%dma_wait3A_434, %dma_wait3A_435] : memref<1280x32xf32, #tpu.memory_space<vmem>> -> memref<128x32xf32, #tpu.memory_space<vmem>>
      %dma_wait3A_437 = arith.constant 0 : i32
      %dma_wait3A_438 = tpu.memref_slice %arg5[%add3A_237, %dma_wait3A_437] : memref<200x128xi32, #tpu.memory_space<vmem>> -> memref<1x128xi32, #tpu.memory_space<vmem>>
      %dma_wait3A_439 = tpu.memref_squeeze %dma_wait3A_438 : memref<1x128xi32, #tpu.memory_space<vmem>> -> memref<128xi32, #tpu.memory_space<vmem>>
      %dma_wait3A_440 = arith.constant 0 : i32
      %dma_wait3A_441 = arith.constant 0 : i32
      %dma_wait3A_442 = tpu.memref_slice %arg2[%dma_wait3A_440, %dma_wait3A_441] : memref<1000000x32xf32, #tpu.memory_space<hbm>> -> memref<1000000x32xf32, #tpu.memory_space<hbm>>
      tpu.wait_indirect_dma semaphore(%arg9 : memref<!tpu.dma_semaphore, #tpu.memory_space<semaphore_mem>>) src(%dma_wait3A_442 : memref<1000000x32xf32, #tpu.memory_space<hbm>>) dst(%dma_wait3A_436 : memref<128x32xf32, #tpu.memory_space<vmem>>)
      %dma_wait3A_443 = arith.constant 1024 : i32
      %dma_wait3A_444 = arith.constant 0 : i32
      %dma_wait3A_445 = tpu.memref_slice %arg7[%dma_wait3A_443, %dma_wait3A_444] : memref<1280x32xf32, #tpu.memory_space<vmem>> -> memref<128x32xf32, #tpu.memory_space<vmem>>
      %dma_wait3A_446 = arith.constant 0 : i32
      %dma_wait3A_447 = tpu.memref_slice %arg5[%add3A_250, %dma_wait3A_446] : memref<200x128xi32, #tpu.memory_space<vmem>> -> memref<1x128xi32, #tpu.memory_space<vmem>>
      %dma_wait3A_448 = tpu.memref_squeeze %dma_wait3A_447 : memref<1x128xi32, #tpu.memory_space<vmem>> -> memref<128xi32, #tpu.memory_space<vmem>>
      %dma_wait3A_449 = arith.constant 0 : i32
      %dma_wait3A_450 = arith.constant 0 : i32
      %dma_wait3A_451 = tpu.memref_slice %arg2[%dma_wait3A_449, %dma_wait3A_450] : memref<1000000x32xf32, #tpu.memory_space<hbm>> -> memref<1000000x32xf32, #tpu.memory_space<hbm>>
      tpu.wait_indirect_dma semaphore(%arg9 : memref<!tpu.dma_semaphore, #tpu.memory_space<semaphore_mem>>) src(%dma_wait3A_451 : memref<1000000x32xf32, #tpu.memory_space<hbm>>) dst(%dma_wait3A_445 : memref<128x32xf32, #tpu.memory_space<vmem>>)
      %dma_wait3A_452 = arith.constant 1152 : i32
      %dma_wait3A_453 = arith.constant 0 : i32
      %dma_wait3A_454 = tpu.memref_slice %arg7[%dma_wait3A_452, %dma_wait3A_453] : memref<1280x32xf32, #tpu.memory_space<vmem>> -> memref<128x32xf32, #tpu.memory_space<vmem>>
      %dma_wait3A_455 = arith.constant 0 : i32
      %dma_wait3A_456 = tpu.memref_slice %arg5[%add3A_263, %dma_wait3A_455] : memref<200x128xi32, #tpu.memory_space<vmem>> -> memref<1x128xi32, #tpu.memory_space<vmem>>
      %dma_wait3A_457 = tpu.memref_squeeze %dma_wait3A_456 : memref<1x128xi32, #tpu.memory_space<vmem>> -> memref<128xi32, #tpu.memory_space<vmem>>
      %dma_wait3A_458 = arith.constant 0 : i32
      %dma_wait3A_459 = arith.constant 0 : i32
      %dma_wait3A_460 = tpu.memref_slice %arg2[%dma_wait3A_458, %dma_wait3A_459] : memref<1000000x32xf32, #tpu.memory_space<hbm>> -> memref<1000000x32xf32, #tpu.memory_space<hbm>>
      tpu.wait_indirect_dma semaphore(%arg9 : memref<!tpu.dma_semaphore, #tpu.memory_space<semaphore_mem>>) src(%dma_wait3A_460 : memref<1000000x32xf32, #tpu.memory_space<hbm>>) dst(%dma_wait3A_454 : memref<128x32xf32, #tpu.memory_space<vmem>>)
      %mul3A_461 = arith.constant 1280 : i32
      %mul3A_462 = arith.muli %add3A_370, %mul3A_461 : i32
      %add3A_463 = arith.addi %mul3A_2, %mul3A_462 : i32
      "tpu.region"() ({
        %run_scoped3A = tpu.sem_alloc : memref<!tpu.dma_semaphore, #tpu.memory_space<semaphore_mem>>
        %dma_start3A_464 = arith.constant 0 : i32
        %dma_start3A_465 = tpu.memref_slice %arg4[%add3A_463, %dma_start3A_464] : memref<819200x32xf32, #tpu.memory_space<hbm>> -> memref<1280x32xf32, #tpu.memory_space<hbm>>
        %dma_start3A_466 = arith.constant 0 : i32
        %dma_start3A_467 = tpu.memref_slice %arg4[%add3A_463, %dma_start3A_466] : memref<819200x32xf32, #tpu.memory_space<hbm>> -> memref<1280x32xf32, #tpu.memory_space<hbm>>
        tpu.enqueue_dma source(%arg7 : memref<1280x32xf32, #tpu.memory_space<vmem>>) target(%dma_start3A_467 : memref<1280x32xf32, #tpu.memory_space<hbm>>) target_semaphore(%run_scoped3A : memref<!tpu.dma_semaphore, #tpu.memory_space<semaphore_mem>>)
        %dma_wait3A_468 = arith.constant 0 : i32
        %dma_wait3A_469 = tpu.memref_slice %arg4[%add3A_463, %dma_wait3A_468] : memref<819200x32xf32, #tpu.memory_space<hbm>> -> memref<1280x32xf32, #tpu.memory_space<hbm>>
        %dma_wait3A_470 = arith.constant 0 : i32
        %dma_wait3A_471 = tpu.memref_slice %arg4[%add3A_463, %dma_wait3A_470] : memref<819200x32xf32, #tpu.memory_space<hbm>> -> memref<1280x32xf32, #tpu.memory_space<hbm>>
        tpu.wait_dma2 semaphore(%run_scoped3A : memref<!tpu.dma_semaphore, #tpu.memory_space<semaphore_mem>>) src(%arg7 : memref<1280x32xf32, #tpu.memory_space<vmem>>) dst(%dma_wait3A_471 : memref<1280x32xf32, #tpu.memory_space<hbm>>)
        tpu.yield
      }) : () -> ()
    }
    %scan3A_6 = arith.constant 10 : i32
    return
  }
}

</mosaic_0001>

<sc_bundles>
// kernel: _embed.3.cloned.1.call-start
scs
__scs_entry_jumppad:
0x0: {  	(pc) =	sbr.rel $0x88, $3  }
0x1: {  	(tag) =	ssettag $0x0;
	lr =	simm.s32 $0x1  }
0x2: {  	[smem:$0x3F9F] =	sst lr;
	_ =	strace $0xD0000000  }
0x3: {  	_ = 	snop  }
0x4: {  	_ = 	snop  }
0x5: {  	_ = 	snop  }
0x6: {  	_ = 	snop  }
0x7: {  	_ = 	snop  }
__scs_overlays_trampoline_lowered:
0x8: {  	[smem:$0x3FAE] =	sst s0  }
0x9: {  	[smem:$0x3FAF] =	sst s1  }
0xa: {  	[smem:$0x3FB0] =	sst s2  }
0xb: {  	[smem:$0x3FB1] =	sst s3  }
0xc: {  	[smem:$0x3FB2] =	sst s4  }
0xd: {  	[smem:$0x3FB3] =	sst s5  }
0xe: {  	[smem:$0x3FB4] =	sst s6  }
0xf: {  	[smem:$0x3FB5] =	sst s7  }
0x10: {  	[smem:$0x3FB6] =	sst s8  }
0x11: {  	[smem:$0x3FB7] =	sst s9;
	s0 =	simm.s32 @!p0 $0x0  }
0x12: {  	s1 =	sld [smem:$0x3F9D];
	s0 =	simm.s32 @p0 $0x1  }
0x13: {  	[smem:$0x3FB8] =	sst s0;
	s0 =	simm.s32 @!p1 $0x0  }
0x14: {  	s2 =	sld [smem:$0x3F9C];
	s0 =	simm.s32 @p1 $0x1  }
0x15: {  	[smem:$0x3FB9] =	sst s0;
	s0 =	simm.s32 @!p2 $0x0  }
0x16: {  	s3 =	sld [smem:$0x3FDB];
	s0 =	simm.s32 @p2 $0x1  }
0x17: {  	s4 =	simm.s32 $0x1BF5;
	[smem:$0x3FBB] =	sst s0  }
0x18: {  	s0 =	sld [smem:$0x3F9E];
	_ =	swait.ge [sflag:s4], $0x0  }
0x19: {  	s7 =	sld [smem:$0x3F9F]  }
0x1a: {  	s8 =	sadd.s32 $0xFFFFE003, lr  }
0x1b: {  	s9 =	sadd.s32 $0xFFFFFEF7, lr;
	s5 =	simm.s32 $0xFFFFFFFF;
	p2 =	slt.u32 s8, $0xFFFFF086  }
0x1c: {  	p1 =	slt.u32 s9, $0xF7A;
	s5 =	simm.s32 @!p2 $0x0  }
0x1d: {  	s5 =	simm.s32 @p1 $0x1;
	p0 =	seq.s32 s7, s2  }
0x1e: {  	s7 =	smul.u32 @!p0 $0xF7A, s2;
	p2 =	seq.s32 @!p0 s5, $0x0  }
0x1f: {  	s9 =	smul.u32 $0xF7A, s1;
	s8 =	simm.s32 @!p0 $0x1BF5;
	p2 =	por !p2, p0  }
0x20: {  	[sflag:s8] =	ssyncset.s32 @!p0 $0xFFFFF086;
	s6 =	sadd.s32 @!p0 s3, s7;
	s7 =	simm.s32 @!p0 $0x108  }
0x21: {  	s3 =	sadd.s32 s3, s9;
	s6 =	sadd.s32 @!p0 $0x88, s6;
	s7 =	simm.s32 @p2 $0x1082  }
0x22: {  	[simem:s7], [sflag:s8] =	dma.local @!p0 [hbm:s6], $0xF7A  }
0x23: {  	s9 =	sor.u32 $0xD0000000, s2;
	s6 =	simm.s32 $0x108;
	_ =	swait.ge @!p0 [sflag:s8], $0x0  }
0x24: {  	s3 =	sadd.s32 $0x88, s3;
	s6 =	simm.s32 @!p1 $0x1082;
	[sflag:s4] =	ssyncset.s32 $0xFFFFF086  }
0x25: {  	[simem:s6], [sflag:s4] =	dma.local [hbm:s3], $0xF7A  }
0x26: {  	[smem:$0x3F9F] =	sst s1;
	(tag) =	ssettag s2;
	_ =	strace s9  }
0x27: {  	s1 =	sld [smem:$0x3FAF]  }
0x28: {  	s2 =	sld [smem:$0x3FB0]  }
0x29: {  	s4 =	sld [smem:$0x3FB2]  }
0x2a: {  	p0 =	seq.s32 s5, $0x0;
	s5 =	sld [smem:$0x3FB3]  }
0x2b: {  	s6 =	sld [smem:$0x3FB4]  }
0x2c: {  	s7 =	sld [smem:$0x3FB5]  }
0x2d: {  	s3 =	simm.s32 $0x108;
	s8 =	sld [smem:$0x3FB6]  }
0x2e: {  	s3 =	simm.s32 @!p0 $0x1082;
	s9 =	sld [smem:$0x3FB7]  }
0x2f: {  	lr =	sadd.s32 s0, s3;
	s0 =	sld [smem:$0x3FAE]  }
0x30: {  	s3 =	sld [smem:$0x3FB1]  }
0x31: {  	[smem:$0x3FBA] =	sst s10  }
0x32: {  	s10 =	sld [smem:$0x3FB8];
	_ =	sdelay $0x3  }
0x33: {  	p0 =	seq.s32 s10, $0x1;
	s10 =	sld [smem:$0x3FBA];
	_ =	sdelay $0x3  }
0x34: {  	[smem:$0x3FBA] =	sst s10  }
0x35: {  	s10 =	sld [smem:$0x3FB9];
	_ =	sdelay $0x3  }
0x36: {  	p1 =	seq.s32 s10, $0x1;
	s10 =	sld [smem:$0x3FBA];
	_ =	sdelay $0x3  }
0x37: {  	[smem:$0x3FBA] =	sst s10  }
0x38: {  	s10 =	sld [smem:$0x3FBB]  }
0x39: {  	_ = 	snop;
	(pc) =	sbr.ind lr, $3  }
0x3a: {  	_ = 	snop  }
0x3b: {  	_ = 	snop  }
0x3c: {  	p2 =	seq.s32 s10, $0x1;
	s10 =	sld [smem:$0x3FBA]  }
0x3d: {  	_ =	shalt  }
0x3e: {  	_ =	shalt  }
0x3f: {  	_ =	shalt  }
0x40: {  	_ =	shalt  }
0x41: {  	_ =	shalt  }
0x42: {  	_ =	shalt  }
0x43: {  	_ =	shalt  }
0x44: {  	_ =	shalt  }
0x45: {  	_ =	shalt  }
0x46: {  	_ =	shalt  }
0x47: {  	_ =	shalt  }
0x48: {  	_ =	shalt  }
0x49: {  	_ =	shalt  }
0x4a: {  	_ =	shalt  }
0x4b: {  	_ =	shalt  }
0x4c: {  	_ =	shalt  }
0x4d: {  	_ =	shalt  }
0x4e: {  	_ =	shalt  }
0x4f: {  	_ =	shalt  }
0x50: {  	_ =	shalt  }
0x51: {  	_ =	shalt  }
0x52: {  	_ =	shalt  }
0x53: {  	_ =	shalt  }
0x54: {  	_ =	shalt  }
0x55: {  	_ =	shalt  }
0x56: {  	_ =	shalt  }
0x57: {  	_ =	shalt  }
0x58: {  	_ =	shalt  }
0x59: {  	_ =	shalt  }
0x5a: {  	_ =	shalt  }
0x5b: {  	_ =	shalt  }
0x5c: {  	_ =	shalt  }
0x5d: {  	_ =	shalt  }
0x5e: {  	_ =	shalt  }
0x5f: {  	_ =	shalt  }
0x60: {  	_ =	shalt  }
0x61: {  	_ =	shalt  }
0x62: {  	_ =	shalt  }
0x63: {  	_ =	shalt  }
0x64: {  	_ =	shalt  }
0x65: {  	_ =	shalt  }
0x66: {  	_ =	shalt  }
0x67: {  	_ =	shalt  }
0x68: {  	_ =	shalt  }
0x69: {  	_ =	shalt  }
0x6a: {  	_ =	shalt  }
0x6b: {  	_ =	shalt  }
0x6c: {  	_ =	shalt  }
0x6d: {  	_ =	shalt  }
0x6e: {  	_ =	shalt  }
0x6f: {  	_ =	shalt  }
0x70: {  	_ =	shalt  }
0x71: {  	_ =	shalt  }
0x72: {  	_ =	shalt  }
0x73: {  	_ =	shalt  }
0x74: {  	_ =	shalt  }
0x75: {  	_ =	shalt  }
0x76: {  	_ =	shalt  }
0x77: {  	_ =	shalt  }
0x78: {  	_ =	shalt  }
0x79: {  	_ =	shalt  }
0x7a: {  	_ =	shalt  }
0x7b: {  	_ =	shalt  }
0x7c: {  	_ =	shalt  }
0x7d: {  	_ =	shalt  }
0x7e: {  	_ =	shalt  }
0x7f: {  	_ =	shalt  }
0x80: {  	_ =	shalt  }
0x81: {  	_ =	shalt  }
0x82: {  	_ =	shalt  }
0x83: {  	_ =	shalt  }
0x84: {  	_ =	shalt  }
0x85: {  	_ =	shalt  }
0x86: {  	_ =	shalt  }
0x87: {  	_ =	shalt  }
.Lfunc_end0:
.L_simem_size_0:
called_computation.1_lowered:
.L_overlay_start_0:
0x88: {  	s2 =	sld [smem:$0x3FD9]  }
0x89: {  	s3 =	sld [smem:$0x3FFE];
	_ =	sdelay $0x1  }
0x8a: {  	s1 =	srdreg.scid  }
0x8b: {  	s0 =	sand.u32 $0x1, s1  }
0x8c: {  	s17 =	sshll.u32 s0, $0xA;
	s2 =	sadd.s32 s3, s2  }
0x8d: {  	s2 =	sadd.s32 s2, s17  }
0x8e: {  	[smem:$0x3FC6] =	sst s2  }
0x8f: {  	_ = 	snop  }
0x90: {  	s2 =	sld [smem:$0x3FC8]  }
0x91: {  	s18 =	sld [smem:$0x3FD0];
	(tm) =	ssettm $0x1  }
0x92: {  	s4 =	sld [smem:$0x3FFB];
	_ =	sdelay $0x3  }
0x93: {  	_ =	strace s4  }
0x94: {  	s4 =	sld [smem:$0x3FFC];
	_ =	sdelay $0x3  }
0x95: {  	_ =	strace s4  }
0x96: {  	s4 =	sld [smem:$0x3FFD];
	_ =	sdelay $0x3  }
0x97: {  	_ =	strace s4  }
0x98: {  	_ =	strace $0x8FFFFFFF  }
0x99: {  	s19 =	sld [smem:$0x3FDB];
	_ =	sdelay $0x1  }
0x9a: {  	s5 =	simm.s32 $_scs_section_size  }
0x9b: {  	s6 =	simm.s32 $_size__tile_overlayer_lowered;
	s7 =	simm.s32 $_tile_overlayer_lowered  }
0x9c: {  	s22 =	simm.s32 $0x1BFF;
	s21 =	sshll.u32 s7, $0x1;
	s4 =	sadd.s32 s5, s19  }
0x9d: {  	s8 =	simm.s32 $0x0;
	s20 =	sshll.u32 s6, $0x1;
	s6 =	sadd.s32 s21, s4  }
0x9e: {  	[timem:s8], [sflag:s22] =	dma.local [hbm:s6], s20  }
0x9f: {  	_ =	swait.ge [sflag:s22], s20  }
0xa0: {  	s5 =	ssub.s32 $0x0, s20;
	[sflag:s22] =	ssyncset.done $0x0  }
0xa1: {  	[sflag:s22] =	ssyncadd.s32 s5;
	_ =	sdelay $0x1  }
0xa2: {  	s23 =	simm.s32 $0x1B8B  }
0xa3: {  	_ =	swait.ge [sflag:s23], $0x1  }
0xa4: {  	[sflag:s23] =	ssyncset.done $0x0  }
0xa5: {  	s25 =	simm.s32 $0x1B8E;
	s24 =	sld [smem:$0x3FFE];
	[sflag:s23] =	ssyncadd.s32 $0xFFFFFFFF  }
0xa6: {  	s26 =	simm.s32 $execute0_lowered;
	[smem:$0x3FD2] =	sst s25  }
0xa7: {  	s6 =	sshll.u32 s26, $0x1;
	_ =	strace $0x80000046;
	[dreg:$0x1] =	wrdreg $0xFFFFFFFF  }
0xa8: {  	s28 =	simm.s32 $_size_execute0_lowered;
	s4 =	sadd.s32 s4, s6;
	[dreg:$0x0] =	wrdreg $0x0  }
0xa9: {  	s6 =	sshll.u32 s28, $0x1;
	[dreg:$0x2] =	wrdreg s4  }
0xaa: {  	[dreg:$0x3] =	wrdreg s6  }
0xab: {  	[dreg:$0x4] =	wrdreg $0xC0  }
0xac: {  	_ =	task [dreg:s8], $0x5FFFF  }
0xad: {  	[dreg:$0x1] =	wrdreg $0xFFFFFFFF  }
0xae: {  	[dreg:$0x0] =	wrdreg $0x60  }
0xaf: {  	[dreg:$0x2] =	wrdreg s24  }
0xb0: {  	[dreg:$0x3] =	wrdreg s2  }
0xb1: {  	[dreg:$0x4] =	wrdreg s18  }
0xb2: {  	[dreg:$0x5] =	wrdreg $0x9  }
0xb3: {  	_ =	task.clear_ibuf [dreg:s8], $0x6FFFF;
	_ =	strace $0x90000046  }
0xb4: {  	s29 =	simm.s32 $0x9;
	_ =	strace $0x80000048  }
0xb5: {  	_ =	swait.ge [sflag:s29], $0x1  }
0xb6: {  	[sflag:s29] =	ssyncadd.s32 $0xFFFFFFFF  }
0xb7: {  	_ =	strace $0x90000048  }
0xb8: {  	_ =	sfence  }
0xb9: {  	s30 =	sld [smem:$0x0];
	_ =	sdelay $0x2  }
0xba: {  	s31 =	sshll.u32 s1, $0xD;
	s1 =	sshrl.u32 s1, $0x2  }
0xbb: {  	s3 =	sand.u32 $0x4000, s31;
	s1 =	sadd.s32 s1, s30  }
0xbc: {  	s0 =	sor.u32 s3, s0;
	s1 =	sshll.u32 s1, $0x11  }
0xbd: {  	s0 =	sor.u32 s1, s0  }
0xbe: {  	s0 =	sadd.s32 $0x8F2B, s0  }
0xbf: {  	[sflag:s0] =	ssyncadd.remote.s32 $0x1  }
0xc0: {  	_ =	sfence.sel $0xFFFF  }
0xc1: {  	[dreg:$0x0] =	wrdreg $0xFFFFFFFF;
	(pc) =	sbr.abs _section_cstart, $3  }
0xc2: {  	[dreg:$0x1] =	wrdreg $0xFFFFFFFF  }
0xc3: {  	_ =	task.clear_ibuf [dreg:s8], $0x2FFFF;
	_ =	strace $0x9FFFFFFF  }
0xc4: {  	(tm) =	ssettm $0x7FFFFFFF  }
0xc5: {  	_ =	shalt  }
tec
execute0_lowered:
.L_overlay_start_1:
0x0: {  	(tag) =	ssettag $0x1  }
0x1: {  	s3 =	rddreg [dreg:$0x0]  }
0x2: {  	s4 =	rddreg [dreg:$0x1]  }
0x3: {  	s1 =	srdreg.scid;
	s7 =	rddreg [dreg:$0x2]  }
0x4: {  	s2 =	simm.s32 $0x0;
	s5 =	sand.u32 $0x1, s1;
	s1 =	rddreg [dreg:$0x3]  }
0x5: {  	s13 =	simm.s32 $0x7400;
	[smem:$0x7FF] =	sst s2  }
0x6: {  	s14 =	simm.s32 $0x8400;
	_ =	strace $0x80000047;
	[dreg:$0x6] =	wrdreg s13  }
0x7: {  	s15 =	simm.s32 $0x9400;
	[dreg:$0x7] =	wrdreg s14  }
0x8: {  	s16 =	simm.s32 $0xA400;
	[dreg:$0x8] =	wrdreg s15  }
0x9: {  	s18 =	simm.s32 $0xB400;
	[dreg:$0x9] =	wrdreg s16  }
0xa: {  	s0 =	stileid.u32;
	s20 =	simm.s32 $0xC400;
	[dreg:$0xa] =	wrdreg s18  }
0xb: {  	s22 =	simm.s32 $0xD400;
	s23 =	simm.s32 $0xE400;
	[dreg:$0xb] =	wrdreg s20  }
0xc: {  	s24 =	simm.s32 $0xF400;
	s25 =	simm.s32 $0x11400;
	[dreg:$0xc] =	wrdreg s22  }
0xd: {  	s26 =	simm.s32 $0x12400;
	s28 =	simm.s32 $0x13400;
	[dreg:$0xd] =	wrdreg s23  }
0xe: {  	s29 =	simm.s32 $0x14400;
	s30 =	simm.s32 $0x15400;
	[dreg:$0xe] =	wrdreg s24  }
0xf: {  	s31 =	simm.s32 $0x16400;
	s6 =	smul.u32 $0xC800, s0;
	[dreg:$0xf] =	wrdreg s25  }
0x10: {  	s11 =	simm.s32 $0x18400;
	s9 =	smul.u32 $0x32000, s0;
	[dreg:$0x10] =	wrdreg s26  }
0x11: {  	s3 =	sadd.s32 $0xF42C00, s3;
	s8 =	smul.u32 $0x6400, s5;
	[dreg:$0x11] =	wrdreg s28  }
0x12: {  	s21 =	sshll.u32 s0, $0x1;
	s10 =	smul.u32 $0x19000, s5;
	[dreg:$0x12] =	wrdreg s29  }
0x13: {  	s17 =	ssub.s32 $0x2, s5;
	s5 =	sor.u32 s5, s21;
	[dreg:$0x13] =	wrdreg s30  }
0x14: {  	[dreg:$0x14] =	wrdreg s31;
	s13 =	simm.s32 $0x1;
	s14 =	simm.s32 $0x2  }
0x15: {  	s15 =	simm.s32 $0x0;
	s12 =	sadd.s32 s9, s7;
	s19 =	sshrl.u32 s17, $0x1  }
0x16: {  	s5 =	smul.u32 $0x6400, s5;
	s9 =	simm.s32 $0x10400;
	s6 =	sadd.s32 s8, s6  }
0x17: {  	s8 =	sadd.s32 s10, s12;
	s10 =	simm.s32 $0x17400;
	s12 =	simm.s32 $0x19400  }
0x18: {  	s6 =	sshll.u32 s6, $0x2;
	[dreg:$0x4] =	wrdreg s8;
	s5 =	sshrl.u32 s5, $0x3  }
0x19: {  	s8 =	simm.s32 $0x6400;
	s6 =	sadd.s32 s7, s6;
	s7 =	ssub.s32 s17, s19  }
0x1a: {  	s4 =	sadd.s32 s4, s5;
	s6 =	sadd.s32 $0x1400, s6;
	s5 =	smax.u32 s7, $0x1  }
0x1b: {  	s7 =	simm.s32 $0x80;
	[dreg:$0x5] =	wrdreg s6;
	s6 =	simm.s32 $0x3  }
.LBB2_1:
0x1c: {  	[tilespmem:s2], [sflag:$0x3] =	stream.linear.gather [hbm4b:s4+s2], $0x6400, $0x38;
	[tilespmem:$0x1A400] =	vst v63  }
0x1d: {  	_ =	swait.ge [sflag:s6], $0x6400  }
0x1e: {  	[sflag:s6] =	ssyncset.done $0x0  }
0x1f: {  	s16 =	simm.s32 $0x0;
	[sflag:s6] =	ssyncadd.s32 $0xFFFF9C00  }
0x20: {  	[tilespmem:s8], [sflag:$0x1] =	stream.indirect.gather [hbm4b:s3+s7], $0x20, s16, s7, $0xb8;
	[tilespmem:$0x1A400] =	vst v63  }
0x21: {  	s22 =	simm.s32 $0x80;
	s17 =	rddreg [dreg:$0x6]  }
0x22: {  	[tilespmem:s17], [sflag:$0x1] =	stream.indirect.gather [hbm4b:s3+s7], $0x20, s22, s7, $0xb8;
	[tilespmem:$0x1A400] =	vst v63  }
0x23: {  	s23 =	simm.s32 $0x100;
	s18 =	rddreg [dreg:$0x7]  }
0x24: {  	[tilespmem:s18], [sflag:$0x1] =	stream.indirect.gather [hbm4b:s3+s7], $0x20, s23, s7, $0xb8;
	[tilespmem:$0x1A400] =	vst v63  }
0x25: {  	s25 =	simm.s32 $0x180;
	s24 =	rddreg [dreg:$0x8]  }
0x26: {  	[tilespmem:s24], [sflag:$0x1] =	stream.indirect.gather [hbm4b:s3+s7], $0x20, s25, s7, $0xb8;
	[tilespmem:$0x1A400] =	vst v63  }
0x27: {  	s28 =	simm.s32 $0x200;
	s26 =	rddreg [dreg:$0x9]  }
0x28: {  	[tilespmem:s26], [sflag:$0x1] =	stream.indirect.gather [hbm4b:s3+s7], $0x20, s28, s7, $0xb8;
	[tilespmem:$0x1A400] =	vst v63  }
0x29: {  	s30 =	simm.s32 $0x280;
	s29 =	rddreg [dreg:$0xa]  }
0x2a: {  	[tilespmem:s29], [sflag:$0x1] =	stream.indirect.gather [hbm4b:s3+s7], $0x20, s30, s7, $0xb8;
	[tilespmem:$0x1A400] =	vst v63  }
0x2b: {  	s31 =	rddreg [dreg:$0xb];
	s17 =	simm.s32 $0x300  }
0x2c: {  	[tilespmem:s31], [sflag:$0x1] =	stream.indirect.gather [hbm4b:s3+s7], $0x20, s17, s7, $0xb8;
	[tilespmem:$0x1A400] =	vst v63  }
0x2d: {  	s20 =	simm.s32 $0x380;
	s19 =	rddreg [dreg:$0xc]  }
0x2e: {  	[tilespmem:s19], [sflag:$0x1] =	stream.indirect.gather [hbm4b:s3+s7], $0x20, s20, s7, $0xb8;
	[tilespmem:$0x1A400] =	vst v63  }
0x2f: {  	s21 =	rddreg [dreg:$0xd];
	s22 =	simm.s32 $0x400  }
0x30: {  	[tilespmem:s21], [sflag:$0x1] =	stream.indirect.gather [hbm4b:s3+s7], $0x20, s22, s7, $0xb8;
	[tilespmem:$0x1A400] =	vst v63  }
0x31: {  	s23 =	rddreg [dreg:$0xe];
	s24 =	simm.s32 $0x480  }
0x32: {  	[tilespmem:s23], [sflag:$0x1] =	stream.indirect.gather [hbm4b:s3+s7], $0x20, s24, s7, $0xb8;
	[tilespmem:$0x1A400] =	vst v63  }
0x33: {  	s25 =	simm.s32 $0x500  }
0x34: {  	[tilespmem:s9], [sflag:$0x2] =	stream.indirect.gather [hbm4b:s3+s7], $0x20, s25, s7, $0xb8;
	[tilespmem:$0x1A400] =	vst v63  }
0x35: {  	s26 =	rddreg [dreg:$0xf];
	s28 =	simm.s32 $0x580  }
0x36: {  	[tilespmem:s26], [sflag:$0x2] =	stream.indirect.gather [hbm4b:s3+s7], $0x20, s28, s7, $0xb8;
	[tilespmem:$0x1A400] =	vst v63  }
0x37: {  	s29 =	rddreg [dreg:$0x10];
	s30 =	simm.s32 $0x600  }
0x38: {  	[tilespmem:s29], [sflag:$0x2] =	stream.indirect.gather [hbm4b:s3+s7], $0x20, s30, s7, $0xb8;
	[tilespmem:$0x1A400] =	vst v63  }
0x39: {  	s31 =	rddreg [dreg:$0x11];
	s19 =	simm.s32 $0x680  }
0x3a: {  	[tilespmem:s31], [sflag:$0x2] =	stream.indirect.gather [hbm4b:s3+s7], $0x20, s19, s7, $0xb8;
	[tilespmem:$0x1A400] =	vst v63  }
0x3b: {  	s20 =	rddreg [dreg:$0x12];
	s21 =	simm.s32 $0x700  }
0x3c: {  	[tilespmem:s20], [sflag:$0x2] =	stream.indirect.gather [hbm4b:s3+s7], $0x20, s21, s7, $0xb8;
	[tilespmem:$0x1A400] =	vst v63  }
0x3d: {  	s22 =	rddreg [dreg:$0x13];
	s23 =	simm.s32 $0x780  }
0x3e: {  	[tilespmem:s22], [sflag:$0x2] =	stream.indirect.gather [hbm4b:s3+s7], $0x20, s23, s7, $0xb8;
	[tilespmem:$0x1A400] =	vst v63  }
0x3f: {  	s24 =	rddreg [dreg:$0x14];
	s25 =	simm.s32 $0x800  }
0x40: {  	[tilespmem:s24], [sflag:$0x2] =	stream.indirect.gather [hbm4b:s3+s7], $0x20, s25, s7, $0xb8;
	[tilespmem:$0x1A400] =	vst v63  }
0x41: {  	s26 =	simm.s32 $0x880  }
0x42: {  	[tilespmem:s10], [sflag:$0x2] =	stream.indirect.gather [hbm4b:s3+s7], $0x20, s26, s7, $0xb8;
	[tilespmem:$0x1A400] =	vst v63  }
0x43: {  	s28 =	simm.s32 $0x900  }
0x44: {  	[tilespmem:s11], [sflag:$0x2] =	stream.indirect.gather [hbm4b:s3+s7], $0x20, s28, s7, $0xb8;
	[tilespmem:$0x1A400] =	vst v63  }
0x45: {  	s29 =	simm.s32 $0x980  }
0x46: {  	[tilespmem:s12], [sflag:$0x2] =	stream.indirect.gather [hbm4b:s3+s7], $0x20, s29, s7, $0xb8;
	[tilespmem:$0x1A400] =	vst v63  }
0x47: {  	_ =	swait.ge [sflag:s13], $0x1000  }
0x48: {  	[sflag:s13] =	ssyncset.done $0x0  }
0x49: {  	[sflag:s13] =	ssyncadd.s32 $0xFFFFF000  }
0x4a: {  	_ =	swait.ge [sflag:s13], $0x1000  }
0x4b: {  	[sflag:s13] =	ssyncset.done $0x0  }
0x4c: {  	[sflag:s13] =	ssyncadd.s32 $0xFFFFF000  }
0x4d: {  	_ =	swait.ge [sflag:s13], $0x1000  }
0x4e: {  	[sflag:s13] =	ssyncset.done $0x0  }
0x4f: {  	[sflag:s13] =	ssyncadd.s32 $0xFFFFF000  }
0x50: {  	_ =	swait.ge [sflag:s13], $0x1000  }
0x51: {  	[sflag:s13] =	ssyncset.done $0x0  }
0x52: {  	[sflag:s13] =	ssyncadd.s32 $0xFFFFF000  }
0x53: {  	_ =	swait.ge [sflag:s13], $0x1000  }
0x54: {  	[sflag:s13] =	ssyncset.done $0x0  }
0x55: {  	[sflag:s13] =	ssyncadd.s32 $0xFFFFF000  }
0x56: {  	_ =	swait.ge [sflag:s13], $0x1000  }
0x57: {  	[sflag:s13] =	ssyncset.done $0x0  }
0x58: {  	[sflag:s13] =	ssyncadd.s32 $0xFFFFF000  }
0x59: {  	_ =	swait.ge [sflag:s13], $0x1000  }
0x5a: {  	[sflag:s13] =	ssyncset.done $0x0  }
0x5b: {  	[sflag:s13] =	ssyncadd.s32 $0xFFFFF000  }
0x5c: {  	_ =	swait.ge [sflag:s13], $0x1000  }
0x5d: {  	[sflag:s13] =	ssyncset.done $0x0  }
0x5e: {  	[sflag:s13] =	ssyncadd.s32 $0xFFFFF000  }
0x5f: {  	_ =	swait.ge [sflag:s13], $0x1000  }
0x60: {  	[sflag:s13] =	ssyncset.done $0x0  }
0x61: {  	[sflag:s13] =	ssyncadd.s32 $0xFFFFF000  }
0x62: {  	_ =	swait.ge [sflag:s13], $0x1000  }
0x63: {  	s30 =	rddreg [dreg:$0x4];
	[sflag:s13] =	ssyncset.done $0x0  }
0x64: {  	[sflag:s13] =	ssyncadd.s32 $0xFFFFF000;
	s16 =	sadd.s32 $0x0, s30  }
0x65: {  	[hbm4b:s16+s2] =	stream.linear.scatter [tilespmem:s8], [sflag:$0x3], $0xA000, $0x38;
	[tilespmem:$0x1A400] =	vst v63  }
0x66: {  	_ =	swait.ge [sflag:s6], $0xA000  }
0x67: {  	[sflag:s6] =	ssyncset.done $0x0  }
0x68: {  	[sflag:s6] =	ssyncadd.s32 $0xFFFF6000  }
0x69: {  	_ =	swait.ge [sflag:s14], $0x1000  }
0x6a: {  	[sflag:s14] =	ssyncset.done $0x0  }
0x6b: {  	[sflag:s14] =	ssyncadd.s32 $0xFFFFF000  }
0x6c: {  	_ =	swait.ge [sflag:s14], $0x1000  }
0x6d: {  	[sflag:s14] =	ssyncset.done $0x0  }
0x6e: {  	[sflag:s14] =	ssyncadd.s32 $0xFFFFF000  }
0x6f: {  	_ =	swait.ge [sflag:s14], $0x1000  }
0x70: {  	[sflag:s14] =	ssyncset.done $0x0  }
0x71: {  	[sflag:s14] =	ssyncadd.s32 $0xFFFFF000  }
0x72: {  	_ =	swait.ge [sflag:s14], $0x1000  }
0x73: {  	[sflag:s14] =	ssyncset.done $0x0  }
0x74: {  	[sflag:s14] =	ssyncadd.s32 $0xFFFFF000  }
0x75: {  	_ =	swait.ge [sflag:s14], $0x1000  }
0x76: {  	[sflag:s14] =	ssyncset.done $0x0  }
0x77: {  	[sflag:s14] =	ssyncadd.s32 $0xFFFFF000  }
0x78: {  	_ =	swait.ge [sflag:s14], $0x1000  }
0x79: {  	[sflag:s14] =	ssyncset.done $0x0  }
0x7a: {  	[sflag:s14] =	ssyncadd.s32 $0xFFFFF000  }
0x7b: {  	_ =	swait.ge [sflag:s14], $0x1000  }
0x7c: {  	[sflag:s14] =	ssyncset.done $0x0  }
0x7d: {  	[sflag:s14] =	ssyncadd.s32 $0xFFFFF000  }
0x7e: {  	_ =	swait.ge [sflag:s14], $0x1000  }
0x7f: {  	[sflag:s14] =	ssyncset.done $0x0  }
0x80: {  	[sflag:s14] =	ssyncadd.s32 $0xFFFFF000  }
0x81: {  	_ =	swait.ge [sflag:s14], $0x1000  }
0x82: {  	[sflag:s14] =	ssyncset.done $0x0  }
0x83: {  	[sflag:s14] =	ssyncadd.s32 $0xFFFFF000  }
0x84: {  	_ =	swait.ge [sflag:s14], $0x1000  }
0x85: {  	s31 =	rddreg [dreg:$0x5];
	[sflag:s14] =	ssyncset.done $0x0  }
0x86: {  	[sflag:s14] =	ssyncadd.s32 $0xFFFFF000;
	s16 =	sadd.s32 $0x0, s31  }
0x87: {  	[hbm4b:s16+s2] =	stream.linear.scatter [tilespmem:s9], [sflag:$0x3], $0xA000, $0x38;
	[tilespmem:$0x1A400] =	vst v63  }
0x88: {  	_ =	swait.ge [sflag:s6], $0xA000  }
0x89: {  	s20 =	simm.s32 $0x5000;
	s16 =	simm.s32 $0x2800;
	[sflag:s6] =	ssyncset.done $0x0  }
.LBB2_2:
0x8a: {  	s19 =	sshra.s32 s16, $0x2;
	[sflag:s6] =	ssyncadd.s32 $0xFFFF6000  }
0x8b: {  	[tilespmem:s8], [sflag:$0x1] =	stream.indirect.gather [hbm4b:s3+s7], $0x20, s19, s7, $0xb8;
	[tilespmem:$0x1A400] =	vst v63  }
0x8c: {  	s21 =	rddreg [dreg:$0x6];
	s22 =	sadd.s32 $0x80, s19  }
0x8d: {  	[tilespmem:s21], [sflag:$0x1] =	stream.indirect.gather [hbm4b:s3+s7], $0x20, s22, s7, $0xb8;
	[tilespmem:$0x1A400] =	vst v63  }
0x8e: {  	s23 =	rddreg [dreg:$0x7];
	s25 =	sadd.s32 $0x100, s19  }
0x8f: {  	[tilespmem:s23], [sflag:$0x1] =	stream.indirect.gather [hbm4b:s3+s7], $0x20, s25, s7, $0xb8;
	[tilespmem:$0x1A400] =	vst v63  }
0x90: {  	s26 =	rddreg [dreg:$0x8];
	s28 =	sadd.s32 $0x180, s19  }
0x91: {  	[tilespmem:s26], [sflag:$0x1] =	stream.indirect.gather [hbm4b:s3+s7], $0x20, s28, s7, $0xb8;
	[tilespmem:$0x1A400] =	vst v63  }
0x92: {  	s29 =	rddreg [dreg:$0x9];
	s30 =	sadd.s32 $0x200, s19  }
0x93: {  	[tilespmem:s29], [sflag:$0x1] =	stream.indirect.gather [hbm4b:s3+s7], $0x20, s30, s7, $0xb8;
	[tilespmem:$0x1A400] =	vst v63  }
0x94: {  	s31 =	rddreg [dreg:$0xa];
	s23 =	sadd.s32 $0x280, s19  }
0x95: {  	[tilespmem:s31], [sflag:$0x1] =	stream.indirect.gather [hbm4b:s3+s7], $0x20, s23, s7, $0xb8;
	[tilespmem:$0x1A400] =	vst v63  }
0x96: {  	s24 =	rddreg [dreg:$0xb];
	s25 =	sadd.s32 $0x300, s19  }
0x97: {  	[tilespmem:s24], [sflag:$0x1] =	stream.indirect.gather [hbm4b:s3+s7], $0x20, s25, s7, $0xb8;
	[tilespmem:$0x1A400] =	vst v63  }
0x98: {  	s26 =	rddreg [dreg:$0xc];
	s28 =	sadd.s32 $0x380, s19  }
0x99: {  	[tilespmem:s26], [sflag:$0x1] =	stream.indirect.gather [hbm4b:s3+s7], $0x20, s28, s7, $0xb8;
	[tilespmem:$0x1A400] =	vst v63  }
0x9a: {  	s29 =	rddreg [dreg:$0xd];
	s30 =	sadd.s32 $0x400, s19  }
0x9b: {  	[tilespmem:s29], [sflag:$0x1] =	stream.indirect.gather [hbm4b:s3+s7], $0x20, s30, s7, $0xb8;
	[tilespmem:$0x1A400] =	vst v63  }
0x9c: {  	s22 =	sadd.s32 $0x480, s19;
	s31 =	rddreg [dreg:$0xe]  }
0x9d: {  	[tilespmem:s31], [sflag:$0x1] =	stream.indirect.gather [hbm4b:s3+s7], $0x20, s22, s7, $0xb8;
	[tilespmem:$0x1A400] =	vst v63  }
0x9e: {  	s23 =	sadd.s32 $0x500, s19  }
0x9f: {  	[tilespmem:s9], [sflag:$0x2] =	stream.indirect.gather [hbm4b:s3+s7], $0x20, s23, s7, $0xb8;
	[tilespmem:$0x1A400] =	vst v63  }
0xa0: {  	s24 =	rddreg [dreg:$0xf];
	s25 =	sadd.s32 $0x580, s19  }
0xa1: {  	[tilespmem:s24], [sflag:$0x2] =	stream.indirect.gather [hbm4b:s3+s7], $0x20, s25, s7, $0xb8;
	[tilespmem:$0x1A400] =	vst v63  }
0xa2: {  	s26 =	rddreg [dreg:$0x10];
	s28 =	sadd.s32 $0x600, s19  }
0xa3: {  	[tilespmem:s26], [sflag:$0x2] =	stream.indirect.gather [hbm4b:s3+s7], $0x20, s28, s7, $0xb8;
	[tilespmem:$0x1A400] =	vst v63  }
0xa4: {  	s29 =	rddreg [dreg:$0x11];
	s30 =	sadd.s32 $0x680, s19  }
0xa5: {  	[tilespmem:s29], [sflag:$0x2] =	stream.indirect.gather [hbm4b:s3+s7], $0x20, s30, s7, $0xb8;
	[tilespmem:$0x1A400] =	vst v63  }
0xa6: {  	s21 =	sadd.s32 $0x700, s19;
	s31 =	rddreg [dreg:$0x12]  }
0xa7: {  	[tilespmem:s31], [sflag:$0x2] =	stream.indirect.gather [hbm4b:s3+s7], $0x20, s21, s7, $0xb8;
	[tilespmem:$0x1A400] =	vst v63  }
0xa8: {  	s23 =	rddreg [dreg:$0x13];
	s24 =	sadd.s32 $0x780, s19  }
0xa9: {  	[tilespmem:s23], [sflag:$0x2] =	stream.indirect.gather [hbm4b:s3+s7], $0x20, s24, s7, $0xb8;
	[tilespmem:$0x1A400] =	vst v63  }
0xaa: {  	s25 =	rddreg [dreg:$0x14];
	s26 =	sadd.s32 $0x800, s19  }
0xab: {  	[tilespmem:s25], [sflag:$0x2] =	stream.indirect.gather [hbm4b:s3+s7], $0x20, s26, s7, $0xb8;
	[tilespmem:$0x1A400] =	vst v63  }
0xac: {  	s28 =	sadd.s32 $0x880, s19  }
0xad: {  	[tilespmem:s10], [sflag:$0x2] =	stream.indirect.gather [hbm4b:s3+s7], $0x20, s28, s7, $0xb8;
	[tilespmem:$0x1A400] =	vst v63  }
0xae: {  	s29 =	sadd.s32 $0x900, s19  }
0xaf: {  	[tilespmem:s11], [sflag:$0x2] =	stream.indirect.gather [hbm4b:s3+s7], $0x20, s29, s7, $0xb8;
	[tilespmem:$0x1A400] =	vst v63  }
0xb0: {  	s19 =	sadd.s32 $0x980, s19  }
0xb1: {  	[tilespmem:s12], [sflag:$0x2] =	stream.indirect.gather [hbm4b:s3+s7], $0x20, s19, s7, $0xb8;
	[tilespmem:$0x1A400] =	vst v63  }
0xb2: {  	_ =	swait.ge [sflag:s13], $0x1000  }
0xb3: {  	[sflag:s13] =	ssyncset.done $0x0  }
0xb4: {  	[sflag:s13] =	ssyncadd.s32 $0xFFFFF000  }
0xb5: {  	_ =	swait.ge [sflag:s13], $0x1000  }
0xb6: {  	[sflag:s13] =	ssyncset.done $0x0  }
0xb7: {  	[sflag:s13] =	ssyncadd.s32 $0xFFFFF000  }
0xb8: {  	_ =	swait.ge [sflag:s13], $0x1000  }
0xb9: {  	[sflag:s13] =	ssyncset.done $0x0  }
0xba: {  	[sflag:s13] =	ssyncadd.s32 $0xFFFFF000  }
0xbb: {  	_ =	swait.ge [sflag:s13], $0x1000  }
0xbc: {  	[sflag:s13] =	ssyncset.done $0x0  }
0xbd: {  	[sflag:s13] =	ssyncadd.s32 $0xFFFFF000  }
0xbe: {  	_ =	swait.ge [sflag:s13], $0x1000  }
0xbf: {  	[sflag:s13] =	ssyncset.done $0x0  }
0xc0: {  	[sflag:s13] =	ssyncadd.s32 $0xFFFFF000  }
0xc1: {  	_ =	swait.ge [sflag:s13], $0x1000  }
0xc2: {  	[sflag:s13] =	ssyncset.done $0x0  }
0xc3: {  	[sflag:s13] =	ssyncadd.s32 $0xFFFFF000  }
0xc4: {  	_ =	swait.ge [sflag:s13], $0x1000  }
0xc5: {  	[sflag:s13] =	ssyncset.done $0x0  }
0xc6: {  	[sflag:s13] =	ssyncadd.s32 $0xFFFFF000  }
0xc7: {  	_ =	swait.ge [sflag:s13], $0x1000  }
0xc8: {  	[sflag:s13] =	ssyncset.done $0x0  }
0xc9: {  	[sflag:s13] =	ssyncadd.s32 $0xFFFFF000  }
0xca: {  	_ =	swait.ge [sflag:s13], $0x1000  }
0xcb: {  	[sflag:s13] =	ssyncset.done $0x0  }
0xcc: {  	[sflag:s13] =	ssyncadd.s32 $0xFFFFF000  }
0xcd: {  	_ =	swait.ge [sflag:s13], $0x1000  }
0xce: {  	[sflag:s13] =	ssyncset.done $0x0;
	s30 =	rddreg [dreg:$0x4]  }
0xcf: {  	[sflag:s13] =	ssyncadd.s32 $0xFFFFF000;
	s19 =	sadd.s32 s16, s30  }
0xd0: {  	[hbm4b:s19+s2] =	stream.linear.scatter [tilespmem:s8], [sflag:$0x3], $0xA000, $0x38;
	[tilespmem:$0x1A400] =	vst v63  }
0xd1: {  	_ =	swait.ge [sflag:s6], $0xA000  }
0xd2: {  	[sflag:s6] =	ssyncset.done $0x0  }
0xd3: {  	[sflag:s6] =	ssyncadd.s32 $0xFFFF6000  }
0xd4: {  	_ =	swait.ge [sflag:s14], $0x1000  }
0xd5: {  	[sflag:s14] =	ssyncset.done $0x0  }
0xd6: {  	[sflag:s14] =	ssyncadd.s32 $0xFFFFF000  }
0xd7: {  	_ =	swait.ge [sflag:s14], $0x1000  }
0xd8: {  	[sflag:s14] =	ssyncset.done $0x0  }
0xd9: {  	[sflag:s14] =	ssyncadd.s32 $0xFFFFF000  }
0xda: {  	_ =	swait.ge [sflag:s14], $0x1000  }
0xdb: {  	[sflag:s14] =	ssyncset.done $0x0  }
0xdc: {  	[sflag:s14] =	ssyncadd.s32 $0xFFFFF000  }
0xdd: {  	_ =	swait.ge [sflag:s14], $0x1000  }
0xde: {  	[sflag:s14] =	ssyncset.done $0x0  }
0xdf: {  	[sflag:s14] =	ssyncadd.s32 $0xFFFFF000  }
0xe0: {  	_ =	swait.ge [sflag:s14], $0x1000  }
0xe1: {  	[sflag:s14] =	ssyncset.done $0x0  }
0xe2: {  	[sflag:s14] =	ssyncadd.s32 $0xFFFFF000  }
0xe3: {  	_ =	swait.ge [sflag:s14], $0x1000  }
0xe4: {  	[sflag:s14] =	ssyncset.done $0x0  }
0xe5: {  	[sflag:s14] =	ssyncadd.s32 $0xFFFFF000  }
0xe6: {  	_ =	swait.ge [sflag:s14], $0x1000  }
0xe7: {  	[sflag:s14] =	ssyncset.done $0x0  }
0xe8: {  	[sflag:s14] =	ssyncadd.s32 $0xFFFFF000  }
0xe9: {  	_ =	swait.ge [sflag:s14], $0x1000  }
0xea: {  	[sflag:s14] =	ssyncset.done $0x0  }
0xeb: {  	[sflag:s14] =	ssyncadd.s32 $0xFFFFF000  }
0xec: {  	_ =	swait.ge [sflag:s14], $0x1000  }
0xed: {  	[sflag:s14] =	ssyncset.done $0x0  }
0xee: {  	[sflag:s14] =	ssyncadd.s32 $0xFFFFF000  }
0xef: {  	p0 =	sne.s32 s20, $0x16800;
	_ =	swait.ge [sflag:s14], $0x1000  }
.Ltmp0:
0xf0: {  	s31 =	rddreg [dreg:$0x5];
	[sflag:s14] =	ssyncset.done $0x0;
	(pc) =	sbr.rel @p0 .LBB2_2-.Ltmp0, $4  }
0xf1: {  	[sflag:s14] =	ssyncadd.s32 $0xFFFFF000;
	s19 =	sadd.s32 s16, s31  }
0xf2: {  	[hbm4b:s19+s2] =	stream.linear.scatter [tilespmem:s9], [sflag:$0x3], $0xA000, $0x38;
	[tilespmem:$0x1A400] =	vst v63  }
0xf3: {  	s18 =	smov.u32 s20;
	s17 =	sadd.s32 $0x2800, s20;
	_ =	swait.ge [sflag:s6], $0xA000  }
0xf4: {  	s20 =	smov.u32 s17;
	s16 =	smov.u32 s18;
	[sflag:s6] =	ssyncset.done $0x0  }
0xf5: {  	s17 =	sshra.s32 s16, $0x2;
	[sflag:s6] =	ssyncadd.s32 $0xFFFF6000  }
0xf6: {  	[tilespmem:s8], [sflag:$0x1] =	stream.indirect.gather [hbm4b:s3+s7], $0x20, s17, s7, $0xb8;
	[tilespmem:$0x1A400] =	vst v63  }
0xf7: {  	s18 =	rddreg [dreg:$0x6];
	s19 =	sadd.s32 $0x80, s17  }
0xf8: {  	[tilespmem:s18], [sflag:$0x1] =	stream.indirect.gather [hbm4b:s3+s7], $0x20, s19, s7, $0xb8;
	[tilespmem:$0x1A400] =	vst v63  }
0xf9: {  	s20 =	rddreg [dreg:$0x7];
	s30 =	sadd.s32 $0x100, s17  }
0xfa: {  	[tilespmem:s20], [sflag:$0x1] =	stream.indirect.gather [hbm4b:s3+s7], $0x20, s30, s7, $0xb8;
	[tilespmem:$0x1A400] =	vst v63  }
0xfb: {  	s31 =	rddreg [dreg:$0x8];
	s21 =	sadd.s32 $0x180, s17  }
0xfc: {  	[tilespmem:s31], [sflag:$0x1] =	stream.indirect.gather [hbm4b:s3+s7], $0x20, s21, s7, $0xb8;
	[tilespmem:$0x1A400] =	vst v63  }
0xfd: {  	s22 =	rddreg [dreg:$0x9];
	s23 =	sadd.s32 $0x200, s17  }
0xfe: {  	[tilespmem:s22], [sflag:$0x1] =	stream.indirect.gather [hbm4b:s3+s7], $0x20, s23, s7, $0xb8;
	[tilespmem:$0x1A400] =	vst v63  }
0xff: {  	s24 =	rddreg [dreg:$0xa];
	s25 =	sadd.s32 $0x280, s17  }
0x100: {  	[tilespmem:s24], [sflag:$0x1] =	stream.indirect.gather [hbm4b:s3+s7], $0x20, s25, s7, $0xb8;
	[tilespmem:$0x1A400] =	vst v63  }
0x101: {  	s26 =	rddreg [dreg:$0xb];
	s28 =	sadd.s32 $0x300, s17  }
0x102: {  	[tilespmem:s26], [sflag:$0x1] =	stream.indirect.gather [hbm4b:s3+s7], $0x20, s28, s7, $0xb8;
	[tilespmem:$0x1A400] =	vst v63  }
0x103: {  	s29 =	rddreg [dreg:$0xc];
	s30 =	sadd.s32 $0x380, s17  }
0x104: {  	[tilespmem:s29], [sflag:$0x1] =	stream.indirect.gather [hbm4b:s3+s7], $0x20, s30, s7, $0xb8;
	[tilespmem:$0x1A400] =	vst v63  }
0x105: {  	s19 =	sadd.s32 $0x400, s17;
	s31 =	rddreg [dreg:$0xd]  }
0x106: {  	[tilespmem:s31], [sflag:$0x1] =	stream.indirect.gather [hbm4b:s3+s7], $0x20, s19, s7, $0xb8;
	[tilespmem:$0x1A400] =	vst v63  }
0x107: {  	s21 =	rddreg [dreg:$0xe];
	s22 =	sadd.s32 $0x480, s17  }
0x108: {  	[tilespmem:s21], [sflag:$0x1] =	stream.indirect.gather [hbm4b:s3+s7], $0x20, s22, s7, $0xb8;
	[tilespmem:$0x1A400] =	vst v63  }
0x109: {  	s23 =	sadd.s32 $0x500, s17  }
0x10a: {  	[tilespmem:s9], [sflag:$0x2] =	stream.indirect.gather [hbm4b:s3+s7], $0x20, s23, s7, $0xb8;
	[tilespmem:$0x1A400] =	vst v63  }
0x10b: {  	s24 =	rddreg [dreg:$0xf];
	s25 =	sadd.s32 $0x580, s17  }
0x10c: {  	[tilespmem:s24], [sflag:$0x2] =	stream.indirect.gather [hbm4b:s3+s7], $0x20, s25, s7, $0xb8;
	[tilespmem:$0x1A400] =	vst v63  }
0x10d: {  	s26 =	rddreg [dreg:$0x10];
	s28 =	sadd.s32 $0x600, s17  }
0x10e: {  	[tilespmem:s26], [sflag:$0x2] =	stream.indirect.gather [hbm4b:s3+s7], $0x20, s28, s7, $0xb8;
	[tilespmem:$0x1A400] =	vst v63  }
0x10f: {  	s29 =	rddreg [dreg:$0x11];
	s30 =	sadd.s32 $0x680, s17  }
0x110: {  	[tilespmem:s29], [sflag:$0x2] =	stream.indirect.gather [hbm4b:s3+s7], $0x20, s30, s7, $0xb8;
	[tilespmem:$0x1A400] =	vst v63  }
0x111: {  	s31 =	rddreg [dreg:$0x12];
	s21 =	sadd.s32 $0x700, s17  }
0x112: {  	[tilespmem:s31], [sflag:$0x2] =	stream.indirect.gather [hbm4b:s3+s7], $0x20, s21, s7, $0xb8;
	[tilespmem:$0x1A400] =	vst v63  }
0x113: {  	s22 =	rddreg [dreg:$0x13];
	s23 =	sadd.s32 $0x780, s17  }
0x114: {  	[tilespmem:s22], [sflag:$0x2] =	stream.indirect.gather [hbm4b:s3+s7], $0x20, s23, s7, $0xb8;
	[tilespmem:$0x1A400] =	vst v63  }
0x115: {  	s24 =	rddreg [dreg:$0x14];
	s25 =	sadd.s32 $0x800, s17  }
0x116: {  	[tilespmem:s24], [sflag:$0x2] =	stream.indirect.gather [hbm4b:s3+s7], $0x20, s25, s7, $0xb8;
	[tilespmem:$0x1A400] =	vst v63  }
0x117: {  	s26 =	sadd.s32 $0x880, s17  }
0x118: {  	[tilespmem:s10], [sflag:$0x2] =	stream.indirect.gather [hbm4b:s3+s7], $0x20, s26, s7, $0xb8;
	[tilespmem:$0x1A400] =	vst v63  }
0x119: {  	s28 =	sadd.s32 $0x900, s17  }
0x11a: {  	[tilespmem:s11], [sflag:$0x2] =	stream.indirect.gather [hbm4b:s3+s7], $0x20, s28, s7, $0xb8;
	[tilespmem:$0x1A400] =	vst v63  }
0x11b: {  	s17 =	sadd.s32 $0x980, s17  }
0x11c: {  	[tilespmem:s12], [sflag:$0x2] =	stream.indirect.gather [hbm4b:s3+s7], $0x20, s17, s7, $0xb8;
	[tilespmem:$0x1A400] =	vst v63  }
0x11d: {  	_ =	swait.ge [sflag:s13], $0x1000  }
0x11e: {  	[sflag:s13] =	ssyncset.done $0x0  }
0x11f: {  	[sflag:s13] =	ssyncadd.s32 $0xFFFFF000  }
0x120: {  	_ =	swait.ge [sflag:s13], $0x1000  }
0x121: {  	[sflag:s13] =	ssyncset.done $0x0  }
0x122: {  	[sflag:s13] =	ssyncadd.s32 $0xFFFFF000  }
0x123: {  	_ =	swait.ge [sflag:s13], $0x1000  }
0x124: {  	[sflag:s13] =	ssyncset.done $0x0  }
0x125: {  	[sflag:s13] =	ssyncadd.s32 $0xFFFFF000  }
0x126: {  	_ =	swait.ge [sflag:s13], $0x1000  }
0x127: {  	[sflag:s13] =	ssyncset.done $0x0  }
0x128: {  	[sflag:s13] =	ssyncadd.s32 $0xFFFFF000  }
0x129: {  	_ =	swait.ge [sflag:s13], $0x1000  }
0x12a: {  	[sflag:s13] =	ssyncset.done $0x0  }
0x12b: {  	[sflag:s13] =	ssyncadd.s32 $0xFFFFF000  }
0x12c: {  	_ =	swait.ge [sflag:s13], $0x1000  }
0x12d: {  	[sflag:s13] =	ssyncset.done $0x0  }
0x12e: {  	[sflag:s13] =	ssyncadd.s32 $0xFFFFF000  }
0x12f: {  	_ =	swait.ge [sflag:s13], $0x1000  }
0x130: {  	[sflag:s13] =	ssyncset.done $0x0  }
0x131: {  	[sflag:s13] =	ssyncadd.s32 $0xFFFFF000  }
0x132: {  	_ =	swait.ge [sflag:s13], $0x1000  }
0x133: {  	[sflag:s13] =	ssyncset.done $0x0  }
0x134: {  	[sflag:s13] =	ssyncadd.s32 $0xFFFFF000  }
0x135: {  	_ =	swait.ge [sflag:s13], $0x1000  }
0x136: {  	[sflag:s13] =	ssyncset.done $0x0  }
0x137: {  	[sflag:s13] =	ssyncadd.s32 $0xFFFFF000  }
0x138: {  	_ =	swait.ge [sflag:s13], $0x1000  }
0x139: {  	s29 =	rddreg [dreg:$0x4];
	[sflag:s13] =	ssyncset.done $0x0  }
0x13a: {  	[sflag:s13] =	ssyncadd.s32 $0xFFFFF000;
	s17 =	sadd.s32 s16, s29  }
0x13b: {  	[hbm4b:s17+s2] =	stream.linear.scatter [tilespmem:s8], [sflag:$0x3], $0xA000, $0x38;
	[tilespmem:$0x1A400] =	vst v63  }
0x13c: {  	_ =	swait.ge [sflag:s6], $0xA000  }
0x13d: {  	[sflag:s6] =	ssyncset.done $0x0  }
0x13e: {  	[sflag:s6] =	ssyncadd.s32 $0xFFFF6000  }
0x13f: {  	_ =	swait.ge [sflag:s14], $0x1000  }
0x140: {  	[sflag:s14] =	ssyncset.done $0x0  }
0x141: {  	[sflag:s14] =	ssyncadd.s32 $0xFFFFF000  }
0x142: {  	_ =	swait.ge [sflag:s14], $0x1000  }
0x143: {  	[sflag:s14] =	ssyncset.done $0x0  }
0x144: {  	[sflag:s14] =	ssyncadd.s32 $0xFFFFF000  }
0x145: {  	_ =	swait.ge [sflag:s14], $0x1000  }
0x146: {  	[sflag:s14] =	ssyncset.done $0x0  }
0x147: {  	[sflag:s14] =	ssyncadd.s32 $0xFFFFF000  }
0x148: {  	_ =	swait.ge [sflag:s14], $0x1000  }
0x149: {  	[sflag:s14] =	ssyncset.done $0x0  }
0x14a: {  	[sflag:s14] =	ssyncadd.s32 $0xFFFFF000  }
0x14b: {  	_ =	swait.ge [sflag:s14], $0x1000  }
0x14c: {  	[sflag:s14] =	ssyncset.done $0x0  }
0x14d: {  	[sflag:s14] =	ssyncadd.s32 $0xFFFFF000  }
0x14e: {  	_ =	swait.ge [sflag:s14], $0x1000  }
0x14f: {  	[sflag:s14] =	ssyncset.done $0x0  }
0x150: {  	[sflag:s14] =	ssyncadd.s32 $0xFFFFF000  }
0x151: {  	_ =	swait.ge [sflag:s14], $0x1000  }
0x152: {  	[sflag:s14] =	ssyncset.done $0x0  }
0x153: {  	[sflag:s14] =	ssyncadd.s32 $0xFFFFF000  }
0x154: {  	_ =	swait.ge [sflag:s14], $0x1000  }
0x155: {  	[sflag:s14] =	ssyncset.done $0x0  }
0x156: {  	[sflag:s14] =	ssyncadd.s32 $0xFFFFF000  }
0x157: {  	_ =	swait.ge [sflag:s14], $0x1000  }
0x158: {  	[sflag:s14] =	ssyncset.done $0x0  }
0x159: {  	[sflag:s14] =	ssyncadd.s32 $0xFFFFF000  }
0x15a: {  	s15 =	sadd.s32 $0x1, s15;
	_ =	swait.ge [sflag:s14], $0x1000  }
0x15b: {  	p0 =	sne.s32 s15, s5;
	s30 =	rddreg [dreg:$0x5];
	[sflag:s14] =	ssyncset.done $0x0  }
.Ltmp1:
0x15c: {  	[sflag:s14] =	ssyncadd.s32 $0xFFFFF000;
	s31 =	sadd.s32 s16, s30;
	(pc) =	sbr.rel @p0 .LBB2_1-.Ltmp1, $4  }
0x15d: {  	[hbm4b:s31+s2] =	stream.linear.scatter [tilespmem:s9], [sflag:$0x3], $0xA000, $0x38;
	[tilespmem:$0x1A400] =	vst v63  }
0x15e: {  	_ =	swait.ge [sflag:s6], $0xA000  }
0x15f: {  	[sflag:s6] =	ssyncset.done $0x0  }
0x160: {  	[sflag:s6] =	ssyncadd.s32 $0xFFFF6000  }
0x161: {  	_ =	sfence.sel $0x180000  }
0x162: {  	[bflag:$0x0] =	sbarrier.arrive $0xFFFF  }
0x163: {  	p0 =	sne.s32 s0, $0x0;
	_ =	strace $0x90000047  }
0x164: {  	s0 =	sadd.s32 @!p0 $0x100000, s1;
	[bflag:$0x2] =	sbarrier.arrive $0xFFFF  }
0x165: {  	[sflag:s0] =	ssyncadd.tile.s32 @!p0 $0x1;
	_ =	shalt  }
.Lfunc_end2:
_tile_overlayer_lowered:
.L_overlay_start_2:
0x166: {  	(tag) =	ssettag $0x2  }
0x167: {  	s0 =	rddreg [dreg:$0x0];
	s2 =	stileid.u32  }
0x168: {  	s1 =	rddreg [dreg:$0x1];
	p0 =	sne.s32 s2, $0x0  }
0x169: {  	s3 =	rddreg [dreg:$0x2];
	[bflag:$0x3] =	sbarrier.arrive $0xFFFF;
	s2 =	simm.s32 @!p0 $0x1C03  }
0x16a: {  	[timem:s3], [sflag:s2] =	dma.local @!p0 [hbm:s0], s1  }
0x16b: {  	s0 =	simm.s32 @!p0 $0x3  }
0x16c: {  	_ =	swait.ge @!p0 [sflag:s0], s1  }
0x16d: {  	s1 =	ssub.s32 @!p0 $0x0, s1;
	[sflag:s0] =	ssyncset.done @!p0 $0x0  }
0x16e: {  	[sflag:s0] =	ssyncadd.s32 @!p0 s1  }
0x16f: {  	[bflag:$0x3] =	sbarrier.arrive $0xFFFF  }
0x170: {  	_ =	shalt  }

// kernel: sparse-core-data-format-call.cloned.1.call-start
scs
called_computation_lowered:
.L_overlay_start_0:
0x0: {  	s2 =	sld [smem:$0x3FD9]  }
0x1: {  	s3 =	sld [smem:$0x3FFE];
	_ =	sdelay $0x1  }
0x2: {  	s1 =	srdreg.scid  }
0x3: {  	s0 =	sand.u32 $0x1, s1  }
0x4: {  	s18 =	sshll.u32 s0, $0xA;
	s2 =	sadd.s32 s3, s2  }
0x5: {  	s2 =	sadd.s32 s2, s18  }
0x6: {  	[smem:$0x3FC6] =	sst s2  }
0x7: {  	_ = 	snop  }
0x8: {  	s2 =	sld [smem:$0x3FD0];
	(tm) =	ssettm $0x1  }
0x9: {  	s19 =	sld [smem:$0x3FFB];
	_ =	sdelay $0x3  }
0xa: {  	_ =	strace s19  }
0xb: {  	s3 =	sld [smem:$0x3FFC];
	_ =	sdelay $0x3  }
0xc: {  	_ =	strace s3  }
0xd: {  	s3 =	sld [smem:$0x3FFD];
	_ =	sdelay $0x3  }
0xe: {  	_ =	strace s3  }
0xf: {  	_ =	strace $0x8FFFFFFF  }
0x10: {  	s20 =	sld [smem:$0x3FDB];
	_ =	sdelay $0x1  }
0x11: {  	s4 =	simm.s32 $_scs_section_size  }
0x12: {  	s5 =	simm.s32 $_size__tile_overlayer_lowered;
	s6 =	simm.s32 $_tile_overlayer_lowered  }
0x13: {  	s23 =	simm.s32 $0x1BFF;
	s22 =	sshll.u32 s6, $0x1;
	s3 =	sadd.s32 s4, s20  }
0x14: {  	s7 =	simm.s32 $0x0;
	s21 =	sshll.u32 s5, $0x1;
	s5 =	sadd.s32 s22, s3  }
0x15: {  	[timem:s7], [sflag:s23] =	dma.local [hbm:s5], s21  }
0x16: {  	_ =	swait.ge [sflag:s23], s21  }
0x17: {  	s4 =	ssub.s32 $0x0, s21;
	[sflag:s23] =	ssyncset.done $0x0  }
0x18: {  	[sflag:s23] =	ssyncadd.s32 s4;
	_ =	sdelay $0x1  }
0x19: {  	s24 =	simm.s32 $0x1B8B  }
0x1a: {  	_ =	swait.ge [sflag:s24], $0x1  }
0x1b: {  	[sflag:s24] =	ssyncset.done $0x0  }
0x1c: {  	s26 =	simm.s32 $0x1B8E;
	s25 =	sld [smem:$0x3FFE];
	[sflag:s24] =	ssyncadd.s32 $0xFFFFFFFF  }
0x1d: {  	s27 =	simm.s32 $execute0_lowered;
	[smem:$0x3FD2] =	sst s26  }
0x1e: {  	s5 =	sshll.u32 s27, $0x1;
	_ =	strace $0x80000049;
	[dreg:$0x1] =	wrdreg $0xFFFFFFFF  }
0x1f: {  	s28 =	simm.s32 $_size_execute0_lowered;
	s3 =	sadd.s32 s3, s5;
	[dreg:$0x0] =	wrdreg $0x0  }
0x20: {  	s5 =	sshll.u32 s28, $0x1;
	[dreg:$0x2] =	wrdreg s3  }
0x21: {  	[dreg:$0x3] =	wrdreg s5  }
0x22: {  	[dreg:$0x4] =	wrdreg $0xC0  }
0x23: {  	_ =	task [dreg:s7], $0x5FFFF  }
0x24: {  	[dreg:$0x1] =	wrdreg $0xFFFFFFFF  }
0x25: {  	[dreg:$0x0] =	wrdreg $0x60  }
0x26: {  	[dreg:$0x2] =	wrdreg s25  }
0x27: {  	[dreg:$0x3] =	wrdreg s2  }
0x28: {  	[dreg:$0x4] =	wrdreg $0x9  }
0x29: {  	_ =	task.clear_ibuf [dreg:s7], $0x5FFFF;
	_ =	strace $0x90000049  }
0x2a: {  	s29 =	simm.s32 $0x9;
	_ =	strace $0x8000004B  }
0x2b: {  	_ =	swait.ge [sflag:s29], $0x1  }
0x2c: {  	[sflag:s29] =	ssyncadd.s32 $0xFFFFFFFF  }
0x2d: {  	_ =	strace $0x9000004B  }
0x2e: {  	_ =	sfence  }
0x2f: {  	s30 =	sld [smem:$0x0];
	_ =	sdelay $0x2  }
0x30: {  	s31 =	sshll.u32 s1, $0xD;
	s1 =	sshrl.u32 s1, $0x2  }
0x31: {  	s3 =	sand.u32 $0x4000, s31;
	s1 =	sadd.s32 s1, s30  }
0x32: {  	s0 =	sor.u32 s3, s0;
	s1 =	sshll.u32 s1, $0x11  }
0x33: {  	s0 =	sor.u32 s1, s0  }
0x34: {  	s0 =	sadd.s32 $0x8F2B, s0  }
0x35: {  	[sflag:s0] =	ssyncadd.remote.s32 $0x1  }
0x36: {  	_ =	sfence.sel $0xFFFF  }
0x37: {  	[dreg:$0x0] =	wrdreg $0xFFFFFFFF;
	(pc) =	sbr.abs _section_cstart, $3  }
0x38: {  	[dreg:$0x1] =	wrdreg $0xFFFFFFFF  }
0x39: {  	_ =	task.clear_ibuf [dreg:s7], $0x2FFFF;
	_ =	strace $0x9FFFFFFF  }
0x3a: {  	(tm) =	ssettm $0x7FFFFFFF  }
0x3b: {  	_ =	shalt  }
tec
execute0_lowered:
.L_overlay_start_1:
0x0: {  	(tag) =	ssettag $0x1  }
0x1: {  	s0 =	srdreg.scid  }
0x2: {  	s1 =	sshll.u32 s0, $0x4  }
0x3: {  	s4 =	rddreg [dreg:$0x0];
	s0 =	stileid.u32;
	s1 =	sand.u32 $0x10, s1  }
0x4: {  	s2 =	rddreg [dreg:$0x1];
	s7 =	simm.s32 $0x1;
	s1 =	sor.u32 s0, s1  }
0x5: {  	s8 =	simm.s32 $0x2;
	s11 =	simm.s32 $0x0;
	s3 =	sshll.u32 s1, $0x7  }
0x6: {  	s10 =	simm.s32 $0x0;
	s4 =	sadd.s32 $0x800, s4;
	s6 =	ssub.s32 $0xC8000, s3  }
.Ltmp0:
0x7: {  	s1 =	rddreg [dreg:$0x2];
	s5 =	sand.u32 $0xF80, s6;
	(pc) =	sbr.rel .LBB1_1-.Ltmp0, $4  }
0x8: {  	_ =	strace $0x8000004A;
	s9 =	smov.u32 s3;
	p0 =	sne.s32 s5, $0x0  }
0x9: {  	s6 =	sshrl.u32 s6, $0xC;
	s5 =	simm.s32 $0x1;
	s7 =	simm.s32 @!p0 $0x0  }
0xa: {  	[sflag:s5] =	ssyncpa.u1 $0x0;
	p0 =	por $0x0, $0x0;
	s6 =	sadd.s32 s7, s6  }
0xb: {  	[sflag:s8] =	ssyncpa.u1 $0x0;
	s8 =	simm.s32 $0x640000;
	s7 =	sadd.s32 $0x1, s6  }
.LBB1_4:
0xc: {  	s14 =	sshll.u32 s11, $0x3  }
0xd: {  	s30 =	sand.u32 $0x7F, s11;
	s15 =	sand.u32 $0xFFFFFC00, s14  }
0xe: {  	s11 =	sor.u32 s30, s15  }
0xf: {  	s15 =	smulhi.u32 $0x51EB851F, s11  }
0x10: {  	s14 =	smulhi.u32 $0x51EB851F, s14  }
0x11: {  	s15 =	sshrl.u32 s15, $0x12  }
0x12: {  	s14 =	sshrl.u32 s14, $0x12;
	s15 =	smul.u32 $0xC8000, s15  }
0x13: {  	s14 =	sand.u32 $0x1F, s14  }
0x14: {  	s14 =	smul.u32 $0x19000, s14;
	s11 =	ssub.s32 s11, s15  }
0x15: {  	s15 =	sand.u32 $0x7, s11  }
0x16: {  	s14 =	sadd.s32 s2, s14;
	s11 =	sshrl.u32 s11, $0x3;
	s15 =	sshll.u32 s15, $0x12  }
0x17: {  	[tilespmem:s13+$0x0 ss:$0x81] =	vst.msk $0xffff, v0;
	s11 =	sadd.s32 s11, s14;
	s31 =	sor.u32 $0x400, s15  }
0x18: {  	[hbm4b:s11+s31] =	stream.strided.scatter [tilespmem:s12], [sflag:$0x2], $0x1000, s8, s31, $0x20;
	[tilespmem:$0x4040] =	vst v63  }
.LBB1_5:
0x19: {  	s13 =	sadd.s32 $0x1000, s9  }
0x1a: {  	p2 =	sgt.s32 s13, $0xC7FFF  }
0x1b: {  	s13 =	smov.u32 @p2 s3;
	p2 =	sne.s32 s10, s7  }
.Ltmp1:
0x1c: {  	p1 =	slt.u32 s10, $0x2;
	(pc) =	sbr.rel @!p2 .LBB1_6-.Ltmp1, $4  }
0x1d: {  	s12 =	simm.s32 @!p1 $0x2  }
0x1e: {  	s14 =	sadd.s32 $0x1, s10;
	_ =	swait.ge @!p1 [sflag:s12], $0x1000  }
0x1f: {  	s11 =	smov.u32 s9;
	p0 =	por !p0, !p0;
	[sflag:s12] =	ssyncset.done @!p1 $0x0  }
0x20: {  	s10 =	smov.u32 s14;
	s9 =	smov.u32 s13;
	[sflag:s12] =	ssyncadd.s32 @!p1 $0xFFFFF000  }
.LBB1_1:
0x21: {  	p1 =	sge.u32 s10, s6  }
0x22: {  	s12 =	sand.u32 @!p1 $0x1FFFFFF, s9  }
0x23: {  	s13 =	smulhi.u32 @!p1 $0x147AE15, s12;
	_ =	sdelay $0x1  }
0x24: {  	s13 =	sshrl.u32 @!p1 s13, $0xC  }
0x25: {  	s13 =	smul.u32 @!p1 $0xC8000, s13;
	_ =	sdelay $0x1  }
0x26: {  	s31 =	sadd.s32 $0xFFFFFFFF, s10;
	s14 =	sxor.u32 @!p1 $0xFFFFFFFF, s10;
	s12 =	ssub.s32 @!p1 s12, s13  }
0x27: {  	s15 =	simm.s32 @!p1 $0x80;
	s14 =	sshll.u32 @!p1 s14, $0xC;
	s12 =	sshll.u32 @!p1 s12, $0x4  }
0x28: {  	s13 =	sand.u32 @!p1 $0x1000, s14;
	s14 =	simm.s32 @!p1 $0x20;
	s12 =	sadd.s32 @!p1 s4, s12  }
0x29: {  	[tilespmem:s13], [sflag:$0x1] =	stream.strided.gather @!p1 [hbm4b:s12+s14], $0x1000, s15, s14, $0x38;
	[tilespmem:$0x4040] =	vst v63  }
0x2a: {  	p1 =	sge.u32 s31, s6  }
.Ltmp2:
0x2b: {  	_ = 	snop;
	(pc) =	sbr.rel @p1 .LBB1_5-.Ltmp2, $1  }
0x2c: {  	_ =	sdelay $0x3  }
0x2d: {  	s12 =	simm.s32 $0x1  }
0x2e: {  	_ =	swait.ge [sflag:s5], $0x1000;
	s12 =	simm.s32 @!p0 $0x0  }
0x2f: {  	[sflag:s5] =	ssyncset.done $0x0;
	s13 =	sshll.u32 s12, $0xC  }
0x30: {  	[sflag:s5] =	ssyncadd.s32 $0xFFFFF000;
	s16 =	sor.u32 $0x10, s13  }
0x31: {  	s12 =	smul.u32 $0x4080, s12;
	v1 =	vld [tilespmem:s16+$0x0]  }
0x32: {  	s30 =	sand.u32 $0x1, s10;
	v0 =	vld [tilespmem:s16+$0xFFFFFFF0]  }
0x33: {  	s13 =	smul.u32 $0x4080, s30;
	s12 =	sshrl.u32 s12, $0x2  }
0x34: {  	s14 =	sor.u32 $0x2000, s12  }
0x35: {  	s31 =	sshrl.u32 s13, $0x2;
	s13 =	sadd.s32 $0x0, s14  }
0x36: {  	s15 =	simm.s32 $0x4;
	s16 =	sadd.s32 $0x20, s16;
	s12 =	sor.u32 $0x2000, s31;
	[tilespmem:s13+$0x810 ss:$0x81] =	vst.msk $0xffff, v1  }
.LBB1_3:
0x37: {  	v1 =	vld [tilespmem:s16+$0x0];
	p1 =	sne.s32 s15, $0x1FC;
	[tilespmem:s13+$0x0 ss:$0x81] =	vst.msk $0xffff, v0;
	s13 =	smov.u32 s15;
	s15 =	sadd.s32 $0x4, s15  }
.Ltmp3:
0x38: {  	v0 =	vld [tilespmem:s16+$0xFFFFFFF0];
	(pc) =	sbr.rel @p1 .LBB1_3-.Ltmp3, $4  }
0x39: {  	_ = 	snop  }
0x3a: {  	s13 =	sshra.s32 s13, $0x2  }
0x3b: {  	s13 =	sadd.s32 s13, s14  }
0x3c: {  	s16 =	sadd.s32 $0x20, s16;
	[tilespmem:s13+$0x810 ss:$0x81] =	vst.msk $0xffff, v1  }
.Ltmp4:
0x3d: {  	_ = 	snop;
	(pc) =	sbr.rel .LBB1_4-.Ltmp4, $1  }
0x3e: {  	_ =	sdelay $0x3  }
.LBB1_6:
0x3f: {  	_ =	sfence.sel $0x180000  }
0x40: {  	s2 =	simm.s32 $0x1;
	[bflag:$0x0] =	sbarrier.arrive $0xFFFF  }
0x41: {  	s31 =	simm.s32 $0x2;
	[sflag:s2] =	ssyncpa.u1 $0x1  }
0x42: {  	[sflag:s31] =	ssyncpa.u1 $0x1  }
0x43: {  	p0 =	sne.s32 s0, $0x0;
	_ =	strace $0x9000004A  }
0x44: {  	s0 =	sadd.s32 @!p0 $0x100000, s1;
	[bflag:$0x2] =	sbarrier.arrive $0xFFFF  }
0x45: {  	[sflag:s0] =	ssyncadd.tile.s32 @!p0 $0x1;
	_ =	shalt  }
.Lfunc_end1:
_tile_overlayer_lowered:
.L_overlay_start_2:
0x46: {  	(tag) =	ssettag $0x2  }
0x47: {  	s0 =	rddreg [dreg:$0x0];
	s2 =	stileid.u32  }
0x48: {  	s1 =	rddreg [dreg:$0x1];
	p0 =	sne.s32 s2, $0x0  }
0x49: {  	s3 =	rddreg [dreg:$0x2];
	[bflag:$0x3] =	sbarrier.arrive $0xFFFF;
	s2 =	simm.s32 @!p0 $0x1C01  }
0x4a: {  	[timem:s3], [sflag:s2] =	dma.local @!p0 [hbm:s0], s1  }
0x4b: {  	s0 =	simm.s32 @!p0 $0x1  }
0x4c: {  	_ =	swait.ge @!p0 [sflag:s0], s1  }
0x4d: {  	s1 =	ssub.s32 @!p0 $0x0, s1;
	[sflag:s0] =	ssyncset.done @!p0 $0x0  }
0x4e: {  	[sflag:s0] =	ssyncadd.s32 @!p0 s1  }
0x4f: {  	[bflag:$0x3] =	sbarrier.arrive $0xFFFF  }
0x50: {  	_ =	shalt  }

</sc_bundles>
